<compile_context>
chip_gen: v7x
topology: tpu7x:2x2x1
jax: 0.10.2.dev20260603
libtpu: 0.0.44.dev20260713+nightly
codegen_flags: <defaults>
</compile_context>

<pallas_src>
import jax
import jax.numpy as jnp
from jax import lax
from jax.experimental import pallas as pl
from jax.experimental.pallas import tpu as pltpu
from jax.experimental.pallas import tpu_sc as plsc

NC = 2
NS = 16
NW = NC * NS
G = 128
D = 128
B = 400000
R = B // G
NIT = (R + NW - 1) // NW
NBUF = 7
STEPS = 98


def _gather_body(table_hbm, idx_hbm, out_hbm, idx_r, rows_r, *sems):
    isems = sems[:NBUF]
    gsems = sems[NBUF:2 * NBUF]
    wsems = sems[2 * NBUF:]
    wid = lax.axis_index("s") * NC + lax.axis_index("c")

    def valid(i):
        return wid + i * NW < R

    def istart(i, b):
        pltpu.async_copy(idx_hbm.at[wid + i * NW], idx_r.at[b], isems[b])

    def iwait(b):
        pltpu.make_async_copy(idx_hbm.at[0], idx_r.at[b], isems[b]).wait()

    def gstart(b):
        pltpu.async_copy(table_hbm.at[idx_r.at[b]], rows_r.at[b], gsems[b])

    def gwait(b):
        pltpu.make_async_copy(
            table_hbm.at[pl.ds(0, G)], rows_r.at[b], gsems[b]).wait()

    def wstart(i, b):
        pltpu.async_copy(
            rows_r.at[b], out_hbm.at[pl.ds((wid + i * NW) * G, G)], wsems[b])

    def wwait(b):
        pltpu.make_async_copy(
            rows_r.at[b], out_hbm.at[pl.ds(0, G)], wsems[b]).wait()

    for c in range(4):
        @pl.when(valid(c))
        def _():
            istart(c, c)

    for c in range(2):
        @pl.when(valid(c))
        def _():
            iwait(c)
            gstart(c)

    def step(g, carry):
        for b in range(NBUF):
            i = lambda off=0: g * NBUF + b + off
            b2 = (b + 2) % NBUF
            b4 = (b + 4) % NBUF

            @pl.when(valid(i(-5)) & (i() >= 5))
            def _():
                wwait(b2)

            @pl.when(valid(i(4)))
            def _():
                istart(i(4), b4)

            @pl.when(valid(i(2)))
            def _():
                iwait(b2)
                gstart(b2)

            @pl.when(valid(i()))
            def _():
                gwait(b)
                wstart(i(), b)

        return carry

    lax.fori_loop(0, STEPS // NBUF, step, 0)

    for c in range(STEPS - 5, STEPS):
        @pl.when(valid(c))
        def _():
            wwait(c % NBUF)


def kernel(x, upsample):
    idx = upsample[:, 0].astype(jnp.int32).reshape(R, G)
    table = jnp.concatenate([x, jnp.zeros((1, D), x.dtype)], axis=0)
    f = pl.kernel(
        _gather_body,
        out_type=jax.ShapeDtypeStruct((B, D), jnp.float32),
        mesh=plsc.VectorSubcoreMesh(core_axis_name="c", subcore_axis_name="s"),
        scratch_types=(
            [pltpu.VMEM((NBUF, G), jnp.int32),
             pltpu.VMEM((NBUF, G, D), jnp.float32)]
            + [pltpu.SemaphoreType.DMA] * (3 * NBUF)
        ),
    )
    return f(table, idx)

# --- scband reference (transcript-rebuilt; emitter-appended) ---
"""Pipeline reference for scband-nearest-upsample-21723944583659 (READ-ONLY COPY).

The authoritative reference and input builder live on the scoring server;
editing this copy changes nothing except your own understanding.
"""

import jax, jax.numpy as jnp
import numpy as np


def setup_inputs(seed: int = 0) -> dict:
    key = jax.random.key(seed)
    k1, k2 = jax.random.split(key)
    x = jax.random.normal(k1, (100000, 128), dtype=jnp.float32)
    # upsample table: [M, 3] with column 0 holding the source-point index.
    # Valid indices are 0..100000 inclusive (index 100000 hits the shadow zero row).
    upsample = jax.random.randint(k2, (400000, 3), 0, 100001, dtype=jnp.int64)
    return {"x": x, "upsample": upsample}


def reference(x, upsample):
    # NearestUpsample branch where list_upsample[layer_ind].size(1) > 2:
    # append a shadow zero row, then gather rows by the first column of the
    # upsample index table.
    shadow = jnp.zeros((1, x.shape[1]), dtype=x.dtype)
    inputs = jnp.concatenate([x, shadow], axis=0)
    inds = upsample[:, 0]
    res = jnp.take(inputs, inds, axis=0)
    return res

if __name__ == "__main__":
    import jax
    _d = setup_inputs()
    print(jax.jit(kernel)(*tuple(_d.values())))

</pallas_src>

<mosaic_0001>
#map = affine_map<(d0, d1) -> (0, 0)>
module attributes {stable_mosaic.version = 14 : i64} {
  func.func @_gather_body(%arg0: i32, %arg1: i32, %arg2: memref<100001x128xf32, #tpu.memory_space<hbm>>, %arg3: memref<3125x128xi32, #tpu.memory_space<hbm>>, %arg4: memref<400000x128xf32, #tpu.memory_space<hbm>>, %arg5: memref<7x128xi32, #tpu.memory_space<vmem>>, %arg6: memref<7x128x128xf32, #tpu.memory_space<vmem>>, %arg7: memref<!tpu.dma_semaphore, #tpu.memory_space<semaphore_mem>>, %arg8: memref<!tpu.dma_semaphore, #tpu.memory_space<semaphore_mem>>, %arg9: memref<!tpu.dma_semaphore, #tpu.memory_space<semaphore_mem>>, %arg10: memref<!tpu.dma_semaphore, #tpu.memory_space<semaphore_mem>>, %arg11: memref<!tpu.dma_semaphore, #tpu.memory_space<semaphore_mem>>, %arg12: memref<!tpu.dma_semaphore, #tpu.memory_space<semaphore_mem>>, %arg13: memref<!tpu.dma_semaphore, #tpu.memory_space<semaphore_mem>>, %arg14: memref<!tpu.dma_semaphore, #tpu.memory_space<semaphore_mem>>, %arg15: memref<!tpu.dma_semaphore, #tpu.memory_space<semaphore_mem>>, %arg16: memref<!tpu.dma_semaphore, #tpu.memory_space<semaphore_mem>>, %arg17: memref<!tpu.dma_semaphore, #tpu.memory_space<semaphore_mem>>, %arg18: memref<!tpu.dma_semaphore, #tpu.memory_space<semaphore_mem>>, %arg19: memref<!tpu.dma_semaphore, #tpu.memory_space<semaphore_mem>>, %arg20: memref<!tpu.dma_semaphore, #tpu.memory_space<semaphore_mem>>, %arg21: memref<!tpu.dma_semaphore, #tpu.memory_space<semaphore_mem>>, %arg22: memref<!tpu.dma_semaphore, #tpu.memory_space<semaphore_mem>>, %arg23: memref<!tpu.dma_semaphore, #tpu.memory_space<semaphore_mem>>, %arg24: memref<!tpu.dma_semaphore, #tpu.memory_space<semaphore_mem>>, %arg25: memref<!tpu.dma_semaphore, #tpu.memory_space<semaphore_mem>>, %arg26: memref<!tpu.dma_semaphore, #tpu.memory_space<semaphore_mem>>, %arg27: memref<!tpu.dma_semaphore, #tpu.memory_space<semaphore_mem>>) attributes {dimension_semantics = [#tpu.dimension_semantics<core_parallel>, #tpu.dimension_semantics<subcore_parallel>], iteration_bounds = array<i64: 2, 16>, scalar_prefetch = 0 : i64, scratch_operands = 23 : i64, tpu.core_type = #tpu.core_type<sc_vector_subcore>, window_params = [{transform_indices = #map}, {transform_indices = #map}, {transform_indices = #map}]} {
    %mul3A = arith.constant 2 : i32
    %mul3A_0 = arith.muli %arg1, %mul3A : i32
    %add3A = arith.addi %mul3A_0, %arg0 : i32
    %add3A_1 = arith.constant 0 : i32
    %add3A_2 = arith.addi %add3A, %add3A_1 : i32
    %lt3A = arith.constant 3125 : i32
    %lt3A_3 = arith.cmpi slt, %add3A_2, %lt3A : i32
    %convert_element_type3A = arith.extui %lt3A_3 : i1 to i32
    %cond3A = arith.constant 0 : i32
    %cond3A_4 = arith.cmpi ne, %convert_element_type3A, %cond3A : i32
    scf.if %cond3A_4 {
      %add3A_80 = arith.constant 0 : i32
      %add3A_81 = arith.addi %add3A, %add3A_80 : i32
      %dma_start3A = arith.constant 0 : i32
      %dma_start3A_82 = arith.constant 0 : i32
      %dma_start3A_83 = tpu.memref_slice %arg5[%dma_start3A, %dma_start3A_82] : memref<7x128xi32, #tpu.memory_space<vmem>> -> memref<1x128xi32, #tpu.memory_space<vmem>>
      %dma_start3A_84 = tpu.memref_squeeze %dma_start3A_83 : memref<1x128xi32, #tpu.memory_space<vmem>> -> memref<128xi32, #tpu.memory_space<vmem>>
      %dma_start3A_85 = arith.constant 0 : i32
      %dma_start3A_86 = tpu.memref_slice %arg3[%add3A_81, %dma_start3A_85] : memref<3125x128xi32, #tpu.memory_space<hbm>> -> memref<1x128xi32, #tpu.memory_space<hbm>>
      %dma_start3A_87 = tpu.memref_squeeze %dma_start3A_86 : memref<1x128xi32, #tpu.memory_space<hbm>> -> memref<128xi32, #tpu.memory_space<hbm>>
      %dma_start3A_88 = arith.constant 0 : i32
      %dma_start3A_89 = tpu.memref_slice %arg5[%dma_start3A, %dma_start3A_88] : memref<7x128xi32, #tpu.memory_space<vmem>> -> memref<1x128xi32, #tpu.memory_space<vmem>>
      %dma_start3A_90 = tpu.memref_squeeze %dma_start3A_89 : memref<1x128xi32, #tpu.memory_space<vmem>> -> memref<128xi32, #tpu.memory_space<vmem>>
      %dma_start3A_91 = arith.constant 0 : i32
      %dma_start3A_92 = tpu.memref_slice %arg3[%add3A_81, %dma_start3A_91] : memref<3125x128xi32, #tpu.memory_space<hbm>> -> memref<1x128xi32, #tpu.memory_space<hbm>>
      %dma_start3A_93 = tpu.memref_squeeze %dma_start3A_92 : memref<1x128xi32, #tpu.memory_space<hbm>> -> memref<128xi32, #tpu.memory_space<hbm>>
      tpu.enqueue_dma source(%dma_start3A_93 : memref<128xi32, #tpu.memory_space<hbm>>) target(%dma_start3A_90 : memref<128xi32, #tpu.memory_space<vmem>>) target_semaphore(%arg7 : memref<!tpu.dma_semaphore, #tpu.memory_space<semaphore_mem>>)
    } else {
    }
    %add3A_5 = arith.constant 32 : i32
    %add3A_6 = arith.addi %add3A, %add3A_5 : i32
    %lt3A_7 = arith.constant 3125 : i32
    %lt3A_8 = arith.cmpi slt, %add3A_6, %lt3A_7 : i32
    %convert_element_type3A_9 = arith.extui %lt3A_8 : i1 to i32
    %cond3A_10 = arith.constant 0 : i32
    %cond3A_11 = arith.cmpi ne, %convert_element_type3A_9, %cond3A_10 : i32
    scf.if %cond3A_11 {
      %add3A_80 = arith.constant 32 : i32
      %add3A_81 = arith.addi %add3A, %add3A_80 : i32
      %dma_start3A = arith.constant 1 : i32
      %dma_start3A_82 = arith.constant 0 : i32
      %dma_start3A_83 = tpu.memref_slice %arg5[%dma_start3A, %dma_start3A_82] : memref<7x128xi32, #tpu.memory_space<vmem>> -> memref<1x128xi32, #tpu.memory_space<vmem>>
      %dma_start3A_84 = tpu.memref_squeeze %dma_start3A_83 : memref<1x128xi32, #tpu.memory_space<vmem>> -> memref<128xi32, #tpu.memory_space<vmem>>
      %dma_start3A_85 = arith.constant 0 : i32
      %dma_start3A_86 = tpu.memref_slice %arg3[%add3A_81, %dma_start3A_85] : memref<3125x128xi32, #tpu.memory_space<hbm>> -> memref<1x128xi32, #tpu.memory_space<hbm>>
      %dma_start3A_87 = tpu.memref_squeeze %dma_start3A_86 : memref<1x128xi32, #tpu.memory_space<hbm>> -> memref<128xi32, #tpu.memory_space<hbm>>
      %dma_start3A_88 = arith.constant 0 : i32
      %dma_start3A_89 = tpu.memref_slice %arg5[%dma_start3A, %dma_start3A_88] : memref<7x128xi32, #tpu.memory_space<vmem>> -> memref<1x128xi32, #tpu.memory_space<vmem>>
      %dma_start3A_90 = tpu.memref_squeeze %dma_start3A_89 : memref<1x128xi32, #tpu.memory_space<vmem>> -> memref<128xi32, #tpu.memory_space<vmem>>
      %dma_start3A_91 = arith.constant 0 : i32
      %dma_start3A_92 = tpu.memref_slice %arg3[%add3A_81, %dma_start3A_91] : memref<3125x128xi32, #tpu.memory_space<hbm>> -> memref<1x128xi32, #tpu.memory_space<hbm>>
      %dma_start3A_93 = tpu.memref_squeeze %dma_start3A_92 : memref<1x128xi32, #tpu.memory_space<hbm>> -> memref<128xi32, #tpu.memory_space<hbm>>
      tpu.enqueue_dma source(%dma_start3A_93 : memref<128xi32, #tpu.memory_space<hbm>>) target(%dma_start3A_90 : memref<128xi32, #tpu.memory_space<vmem>>) target_semaphore(%arg8 : memref<!tpu.dma_semaphore, #tpu.memory_space<semaphore_mem>>)
    } else {
    }
    %add3A_12 = arith.constant 64 : i32
    %add3A_13 = arith.addi %add3A, %add3A_12 : i32
    %lt3A_14 = arith.constant 3125 : i32
    %lt3A_15 = arith.cmpi slt, %add3A_13, %lt3A_14 : i32
    %convert_element_type3A_16 = arith.extui %lt3A_15 : i1 to i32
    %cond3A_17 = arith.constant 0 : i32
    %cond3A_18 = arith.cmpi ne, %convert_element_type3A_16, %cond3A_17 : i32
    scf.if %cond3A_18 {
      %add3A_80 = arith.constant 64 : i32
      %add3A_81 = arith.addi %add3A, %add3A_80 : i32
      %dma_start3A = arith.constant 2 : i32
      %dma_start3A_82 = arith.constant 0 : i32
      %dma_start3A_83 = tpu.memref_slice %arg5[%dma_start3A, %dma_start3A_82] : memref<7x128xi32, #tpu.memory_space<vmem>> -> memref<1x128xi32, #tpu.memory_space<vmem>>
      %dma_start3A_84 = tpu.memref_squeeze %dma_start3A_83 : memref<1x128xi32, #tpu.memory_space<vmem>> -> memref<128xi32, #tpu.memory_space<vmem>>
      %dma_start3A_85 = arith.constant 0 : i32
      %dma_start3A_86 = tpu.memref_slice %arg3[%add3A_81, %dma_start3A_85] : memref<3125x128xi32, #tpu.memory_space<hbm>> -> memref<1x128xi32, #tpu.memory_space<hbm>>
      %dma_start3A_87 = tpu.memref_squeeze %dma_start3A_86 : memref<1x128xi32, #tpu.memory_space<hbm>> -> memref<128xi32, #tpu.memory_space<hbm>>
      %dma_start3A_88 = arith.constant 0 : i32
      %dma_start3A_89 = tpu.memref_slice %arg5[%dma_start3A, %dma_start3A_88] : memref<7x128xi32, #tpu.memory_space<vmem>> -> memref<1x128xi32, #tpu.memory_space<vmem>>
      %dma_start3A_90 = tpu.memref_squeeze %dma_start3A_89 : memref<1x128xi32, #tpu.memory_space<vmem>> -> memref<128xi32, #tpu.memory_space<vmem>>
      %dma_start3A_91 = arith.constant 0 : i32
      %dma_start3A_92 = tpu.memref_slice %arg3[%add3A_81, %dma_start3A_91] : memref<3125x128xi32, #tpu.memory_space<hbm>> -> memref<1x128xi32, #tpu.memory_space<hbm>>
      %dma_start3A_93 = tpu.memref_squeeze %dma_start3A_92 : memref<1x128xi32, #tpu.memory_space<hbm>> -> memref<128xi32, #tpu.memory_space<hbm>>
      tpu.enqueue_dma source(%dma_start3A_93 : memref<128xi32, #tpu.memory_space<hbm>>) target(%dma_start3A_90 : memref<128xi32, #tpu.memory_space<vmem>>) target_semaphore(%arg9 : memref<!tpu.dma_semaphore, #tpu.memory_space<semaphore_mem>>)
    } else {
    }
    %add3A_19 = arith.constant 96 : i32
    %add3A_20 = arith.addi %add3A, %add3A_19 : i32
    %lt3A_21 = arith.constant 3125 : i32
    %lt3A_22 = arith.cmpi slt, %add3A_20, %lt3A_21 : i32
    %convert_element_type3A_23 = arith.extui %lt3A_22 : i1 to i32
    %cond3A_24 = arith.constant 0 : i32
    %cond3A_25 = arith.cmpi ne, %convert_element_type3A_23, %cond3A_24 : i32
    scf.if %cond3A_25 {
      %add3A_80 = arith.constant 96 : i32
      %add3A_81 = arith.addi %add3A, %add3A_80 : i32
      %dma_start3A = arith.constant 3 : i32
      %dma_start3A_82 = arith.constant 0 : i32
      %dma_start3A_83 = tpu.memref_slice %arg5[%dma_start3A, %dma_start3A_82] : memref<7x128xi32, #tpu.memory_space<vmem>> -> memref<1x128xi32, #tpu.memory_space<vmem>>
      %dma_start3A_84 = tpu.memref_squeeze %dma_start3A_83 : memref<1x128xi32, #tpu.memory_space<vmem>> -> memref<128xi32, #tpu.memory_space<vmem>>
      %dma_start3A_85 = arith.constant 0 : i32
      %dma_start3A_86 = tpu.memref_slice %arg3[%add3A_81, %dma_start3A_85] : memref<3125x128xi32, #tpu.memory_space<hbm>> -> memref<1x128xi32, #tpu.memory_space<hbm>>
      %dma_start3A_87 = tpu.memref_squeeze %dma_start3A_86 : memref<1x128xi32, #tpu.memory_space<hbm>> -> memref<128xi32, #tpu.memory_space<hbm>>
      %dma_start3A_88 = arith.constant 0 : i32
      %dma_start3A_89 = tpu.memref_slice %arg5[%dma_start3A, %dma_start3A_88] : memref<7x128xi32, #tpu.memory_space<vmem>> -> memref<1x128xi32, #tpu.memory_space<vmem>>
      %dma_start3A_90 = tpu.memref_squeeze %dma_start3A_89 : memref<1x128xi32, #tpu.memory_space<vmem>> -> memref<128xi32, #tpu.memory_space<vmem>>
      %dma_start3A_91 = arith.constant 0 : i32
      %dma_start3A_92 = tpu.memref_slice %arg3[%add3A_81, %dma_start3A_91] : memref<3125x128xi32, #tpu.memory_space<hbm>> -> memref<1x128xi32, #tpu.memory_space<hbm>>
      %dma_start3A_93 = tpu.memref_squeeze %dma_start3A_92 : memref<1x128xi32, #tpu.memory_space<hbm>> -> memref<128xi32, #tpu.memory_space<hbm>>
      tpu.enqueue_dma source(%dma_start3A_93 : memref<128xi32, #tpu.memory_space<hbm>>) target(%dma_start3A_90 : memref<128xi32, #tpu.memory_space<vmem>>) target_semaphore(%arg10 : memref<!tpu.dma_semaphore, #tpu.memory_space<semaphore_mem>>)
    } else {
    }
    %add3A_26 = arith.constant 0 : i32
    %add3A_27 = arith.addi %add3A, %add3A_26 : i32
    %lt3A_28 = arith.constant 3125 : i32
    %lt3A_29 = arith.cmpi slt, %add3A_27, %lt3A_28 : i32
    %convert_element_type3A_30 = arith.extui %lt3A_29 : i1 to i32
    %cond3A_31 = arith.constant 0 : i32
    %cond3A_32 = arith.cmpi ne, %convert_element_type3A_30, %cond3A_31 : i32
    scf.if %cond3A_32 {
      %dma_wait3A = arith.constant 0 : i32
      %dma_wait3A_80 = arith.constant 0 : i32
      %dma_wait3A_81 = arith.constant 0 : i32
      %dma_wait3A_82 = tpu.memref_slice %arg5[%dma_wait3A_80, %dma_wait3A_81] : memref<7x128xi32, #tpu.memory_space<vmem>> -> memref<1x128xi32, #tpu.memory_space<vmem>>
      %dma_wait3A_83 = tpu.memref_squeeze %dma_wait3A_82 : memref<1x128xi32, #tpu.memory_space<vmem>> -> memref<128xi32, #tpu.memory_space<vmem>>
      %dma_wait3A_84 = arith.constant 0 : i32
      %dma_wait3A_85 = tpu.memref_slice %arg3[%dma_wait3A, %dma_wait3A_84] : memref<3125x128xi32, #tpu.memory_space<hbm>> -> memref<1x128xi32, #tpu.memory_space<hbm>>
      %dma_wait3A_86 = tpu.memref_squeeze %dma_wait3A_85 : memref<1x128xi32, #tpu.memory_space<hbm>> -> memref<128xi32, #tpu.memory_space<hbm>>
      %dma_wait3A_87 = arith.constant 0 : i32
      %dma_wait3A_88 = tpu.memref_slice %arg5[%dma_wait3A_80, %dma_wait3A_87] : memref<7x128xi32, #tpu.memory_space<vmem>> -> memref<1x128xi32, #tpu.memory_space<vmem>>
      %dma_wait3A_89 = tpu.memref_squeeze %dma_wait3A_88 : memref<1x128xi32, #tpu.memory_space<vmem>> -> memref<128xi32, #tpu.memory_space<vmem>>
      %dma_wait3A_90 = arith.constant 0 : i32
      %dma_wait3A_91 = tpu.memref_slice %arg3[%dma_wait3A, %dma_wait3A_90] : memref<3125x128xi32, #tpu.memory_space<hbm>> -> memref<1x128xi32, #tpu.memory_space<hbm>>
      %dma_wait3A_92 = tpu.memref_squeeze %dma_wait3A_91 : memref<1x128xi32, #tpu.memory_space<hbm>> -> memref<128xi32, #tpu.memory_space<hbm>>
      tpu.wait_dma2 semaphore(%arg7 : memref<!tpu.dma_semaphore, #tpu.memory_space<semaphore_mem>>) src(%dma_wait3A_92 : memref<128xi32, #tpu.memory_space<hbm>>) dst(%dma_wait3A_89 : memref<128xi32, #tpu.memory_space<vmem>>)
      %dma_start3A = arith.constant 0 : i32
      %dma_start3A_93 = arith.constant 0 : i32
      %dma_start3A_94 = arith.constant 0 : i32
      %dma_start3A_95 = arith.constant 0 : i32
      %dma_start3A_96 = tpu.memref_slice %arg6[%dma_start3A_93, %dma_start3A_94, %dma_start3A_95] : memref<7x128x128xf32, #tpu.memory_space<vmem>> -> memref<1x128x128xf32, #tpu.memory_space<vmem>>
      %dma_start3A_97 = tpu.memref_squeeze %dma_start3A_96 : memref<1x128x128xf32, #tpu.memory_space<vmem>> -> memref<128x128xf32, #tpu.memory_space<vmem>>
      %dma_start3A_98 = arith.constant 0 : i32
      %dma_start3A_99 = tpu.memref_slice %arg5[%dma_start3A, %dma_start3A_98] : memref<7x128xi32, #tpu.memory_space<vmem>> -> memref<1x128xi32, #tpu.memory_space<vmem>>
      %dma_start3A_100 = tpu.memref_squeeze %dma_start3A_99 : memref<1x128xi32, #tpu.memory_space<vmem>> -> memref<128xi32, #tpu.memory_space<vmem>>
      %dma_start3A_101 = arith.constant 0 : i32
      %dma_start3A_102 = arith.constant 0 : i32
      %dma_start3A_103 = tpu.memref_slice %arg2[%dma_start3A_101, %dma_start3A_102] : memref<100001x128xf32, #tpu.memory_space<hbm>> -> memref<100001x128xf32, #tpu.memory_space<hbm>>
      tpu.enqueue_indirect_dma source(%dma_start3A_103 : memref<100001x128xf32, #tpu.memory_space<hbm>>) target(%dma_start3A_97 : memref<128x128xf32, #tpu.memory_space<vmem>>) offsets(%dma_start3A_100 : memref<128xi32, #tpu.memory_space<vmem>>) semaphore(%arg14 : memref<!tpu.dma_semaphore, #tpu.memory_space<semaphore_mem>>)
    } else {
    }
    %add3A_33 = arith.constant 32 : i32
    %add3A_34 = arith.addi %add3A, %add3A_33 : i32
    %lt3A_35 = arith.constant 3125 : i32
    %lt3A_36 = arith.cmpi slt, %add3A_34, %lt3A_35 : i32
    %convert_element_type3A_37 = arith.extui %lt3A_36 : i1 to i32
    %cond3A_38 = arith.constant 0 : i32
    %cond3A_39 = arith.cmpi ne, %convert_element_type3A_37, %cond3A_38 : i32
    scf.if %cond3A_39 {
      %dma_wait3A = arith.constant 0 : i32
      %dma_wait3A_80 = arith.constant 1 : i32
      %dma_wait3A_81 = arith.constant 0 : i32
      %dma_wait3A_82 = tpu.memref_slice %arg5[%dma_wait3A_80, %dma_wait3A_81] : memref<7x128xi32, #tpu.memory_space<vmem>> -> memref<1x128xi32, #tpu.memory_space<vmem>>
      %dma_wait3A_83 = tpu.memref_squeeze %dma_wait3A_82 : memref<1x128xi32, #tpu.memory_space<vmem>> -> memref<128xi32, #tpu.memory_space<vmem>>
      %dma_wait3A_84 = arith.constant 0 : i32
      %dma_wait3A_85 = tpu.memref_slice %arg3[%dma_wait3A, %dma_wait3A_84] : memref<3125x128xi32, #tpu.memory_space<hbm>> -> memref<1x128xi32, #tpu.memory_space<hbm>>
      %dma_wait3A_86 = tpu.memref_squeeze %dma_wait3A_85 : memref<1x128xi32, #tpu.memory_space<hbm>> -> memref<128xi32, #tpu.memory_space<hbm>>
      %dma_wait3A_87 = arith.constant 0 : i32
      %dma_wait3A_88 = tpu.memref_slice %arg5[%dma_wait3A_80, %dma_wait3A_87] : memref<7x128xi32, #tpu.memory_space<vmem>> -> memref<1x128xi32, #tpu.memory_space<vmem>>
      %dma_wait3A_89 = tpu.memref_squeeze %dma_wait3A_88 : memref<1x128xi32, #tpu.memory_space<vmem>> -> memref<128xi32, #tpu.memory_space<vmem>>
      %dma_wait3A_90 = arith.constant 0 : i32
      %dma_wait3A_91 = tpu.memref_slice %arg3[%dma_wait3A, %dma_wait3A_90] : memref<3125x128xi32, #tpu.memory_space<hbm>> -> memref<1x128xi32, #tpu.memory_space<hbm>>
      %dma_wait3A_92 = tpu.memref_squeeze %dma_wait3A_91 : memref<1x128xi32, #tpu.memory_space<hbm>> -> memref<128xi32, #tpu.memory_space<hbm>>
      tpu.wait_dma2 semaphore(%arg8 : memref<!tpu.dma_semaphore, #tpu.memory_space<semaphore_mem>>) src(%dma_wait3A_92 : memref<128xi32, #tpu.memory_space<hbm>>) dst(%dma_wait3A_89 : memref<128xi32, #tpu.memory_space<vmem>>)
      %dma_start3A = arith.constant 1 : i32
      %dma_start3A_93 = arith.constant 1 : i32
      %dma_start3A_94 = arith.constant 0 : i32
      %dma_start3A_95 = arith.constant 0 : i32
      %dma_start3A_96 = tpu.memref_slice %arg6[%dma_start3A_93, %dma_start3A_94, %dma_start3A_95] : memref<7x128x128xf32, #tpu.memory_space<vmem>> -> memref<1x128x128xf32, #tpu.memory_space<vmem>>
      %dma_start3A_97 = tpu.memref_squeeze %dma_start3A_96 : memref<1x128x128xf32, #tpu.memory_space<vmem>> -> memref<128x128xf32, #tpu.memory_space<vmem>>
      %dma_start3A_98 = arith.constant 0 : i32
      %dma_start3A_99 = tpu.memref_slice %arg5[%dma_start3A, %dma_start3A_98] : memref<7x128xi32, #tpu.memory_space<vmem>> -> memref<1x128xi32, #tpu.memory_space<vmem>>
      %dma_start3A_100 = tpu.memref_squeeze %dma_start3A_99 : memref<1x128xi32, #tpu.memory_space<vmem>> -> memref<128xi32, #tpu.memory_space<vmem>>
      %dma_start3A_101 = arith.constant 0 : i32
      %dma_start3A_102 = arith.constant 0 : i32
      %dma_start3A_103 = tpu.memref_slice %arg2[%dma_start3A_101, %dma_start3A_102] : memref<100001x128xf32, #tpu.memory_space<hbm>> -> memref<100001x128xf32, #tpu.memory_space<hbm>>
      tpu.enqueue_indirect_dma source(%dma_start3A_103 : memref<100001x128xf32, #tpu.memory_space<hbm>>) target(%dma_start3A_97 : memref<128x128xf32, #tpu.memory_space<vmem>>) offsets(%dma_start3A_100 : memref<128xi32, #tpu.memory_space<vmem>>) semaphore(%arg15 : memref<!tpu.dma_semaphore, #tpu.memory_space<semaphore_mem>>)
    } else {
    }
    %scan3A = arith.constant 0 : i32
    %scan3A_40 = arith.constant 0 : i32
    %scan3A_41 = arith.constant 14 : i32
    %scan3A_42 = arith.addi %scan3A_40, %scan3A_41 : i32
    %scan3A_43 = arith.constant 1 : i32
    scf.for %scan3A_80 = %scan3A_40 to %scan3A_42 step %scan3A_43  : i32 {
      %mul3A_81 = arith.constant 7 : i32
      %mul3A_82 = arith.muli %scan3A_80, %mul3A_81 : i32
      %add3A_83 = arith.constant 0 : i32
      %add3A_84 = arith.addi %mul3A_82, %add3A_83 : i32
      %add3A_85 = arith.constant -5 : i32
      %add3A_86 = arith.addi %add3A_84, %add3A_85 : i32
      %mul3A_87 = arith.constant 32 : i32
      %mul3A_88 = arith.muli %add3A_86, %mul3A_87 : i32
      %add3A_89 = arith.addi %add3A, %mul3A_88 : i32
      %lt3A_90 = arith.constant 3125 : i32
      %lt3A_91 = arith.cmpi slt, %add3A_89, %lt3A_90 : i32
      %mul3A_92 = arith.constant 7 : i32
      %mul3A_93 = arith.muli %scan3A_80, %mul3A_92 : i32
      %add3A_94 = arith.constant 0 : i32
      %add3A_95 = arith.addi %mul3A_93, %add3A_94 : i32
      %add3A_96 = arith.constant 0 : i32
      %add3A_97 = arith.addi %add3A_95, %add3A_96 : i32
      %ge3A = arith.constant 5 : i32
      %ge3A_98 = arith.cmpi sge, %add3A_97, %ge3A : i32
      %and3A = arith.andi %lt3A_91, %ge3A_98 : i1
      %convert_element_type3A_99 = arith.extui %and3A : i1 to i32
      %cond3A_100 = arith.constant 0 : i32
      %cond3A_101 = arith.cmpi ne, %convert_element_type3A_99, %cond3A_100 : i32
      scf.if %cond3A_101 {
        %dma_wait3A = arith.constant 2 : i32
        %dma_wait3A_534 = arith.constant 0 : i32
        %dma_wait3A_535 = arith.constant 0 : i32
        %dma_wait3A_536 = tpu.memref_slice %arg6[%dma_wait3A, %dma_wait3A_534, %dma_wait3A_535] : memref<7x128x128xf32, #tpu.memory_space<vmem>> -> memref<1x128x128xf32, #tpu.memory_space<vmem>>
        %dma_wait3A_537 = tpu.memref_squeeze %dma_wait3A_536 : memref<1x128x128xf32, #tpu.memory_space<vmem>> -> memref<128x128xf32, #tpu.memory_space<vmem>>
        %dma_wait3A_538 = arith.constant 0 : i32
        %dma_wait3A_539 = arith.constant 0 : i32
        %dma_wait3A_540 = tpu.memref_slice %arg4[%dma_wait3A_538, %dma_wait3A_539] : memref<400000x128xf32, #tpu.memory_space<hbm>> -> memref<128x128xf32, #tpu.memory_space<hbm>>
        %dma_wait3A_541 = arith.constant 0 : i32
        %dma_wait3A_542 = arith.constant 0 : i32
        %dma_wait3A_543 = tpu.memref_slice %arg4[%dma_wait3A_541, %dma_wait3A_542] : memref<400000x128xf32, #tpu.memory_space<hbm>> -> memref<128x128xf32, #tpu.memory_space<hbm>>
        %dma_wait3A_544 = arith.constant 0 : i32
        %dma_wait3A_545 = arith.constant 0 : i32
        %dma_wait3A_546 = tpu.memref_slice %arg6[%dma_wait3A, %dma_wait3A_544, %dma_wait3A_545] : memref<7x128x128xf32, #tpu.memory_space<vmem>> -> memref<1x128x128xf32, #tpu.memory_space<vmem>>
        %dma_wait3A_547 = tpu.memref_squeeze %dma_wait3A_546 : memref<1x128x128xf32, #tpu.memory_space<vmem>> -> memref<128x128xf32, #tpu.memory_space<vmem>>
        tpu.wait_dma2 semaphore(%arg23 : memref<!tpu.dma_semaphore, #tpu.memory_space<semaphore_mem>>) src(%dma_wait3A_547 : memref<128x128xf32, #tpu.memory_space<vmem>>) dst(%dma_wait3A_543 : memref<128x128xf32, #tpu.memory_space<hbm>>)
      } else {
      }
      %mul3A_102 = arith.constant 7 : i32
      %mul3A_103 = arith.muli %scan3A_80, %mul3A_102 : i32
      %add3A_104 = arith.constant 0 : i32
      %add3A_105 = arith.addi %mul3A_103, %add3A_104 : i32
      %add3A_106 = arith.constant 4 : i32
      %add3A_107 = arith.addi %add3A_105, %add3A_106 : i32
      %mul3A_108 = arith.constant 32 : i32
      %mul3A_109 = arith.muli %add3A_107, %mul3A_108 : i32
      %add3A_110 = arith.addi %add3A, %mul3A_109 : i32
      %lt3A_111 = arith.constant 3125 : i32
      %lt3A_112 = arith.cmpi slt, %add3A_110, %lt3A_111 : i32
      %convert_element_type3A_113 = arith.extui %lt3A_112 : i1 to i32
      %cond3A_114 = arith.constant 0 : i32
      %cond3A_115 = arith.cmpi ne, %convert_element_type3A_113, %cond3A_114 : i32
      scf.if %cond3A_115 {
        %mul3A_534 = arith.constant 7 : i32
        %mul3A_535 = arith.muli %scan3A_80, %mul3A_534 : i32
        %add3A_536 = arith.constant 0 : i32
        %add3A_537 = arith.addi %mul3A_535, %add3A_536 : i32
        %add3A_538 = arith.constant 4 : i32
        %add3A_539 = arith.addi %add3A_537, %add3A_538 : i32
        %mul3A_540 = arith.constant 32 : i32
        %mul3A_541 = arith.muli %add3A_539, %mul3A_540 : i32
        %add3A_542 = arith.addi %add3A, %mul3A_541 : i32
        %dma_start3A = arith.constant 4 : i32
        %dma_start3A_543 = arith.constant 0 : i32
        %dma_start3A_544 = tpu.memref_slice %arg5[%dma_start3A, %dma_start3A_543] : memref<7x128xi32, #tpu.memory_space<vmem>> -> memref<1x128xi32, #tpu.memory_space<vmem>>
        %dma_start3A_545 = tpu.memref_squeeze %dma_start3A_544 : memref<1x128xi32, #tpu.memory_space<vmem>> -> memref<128xi32, #tpu.memory_space<vmem>>
        %dma_start3A_546 = arith.constant 0 : i32
        %dma_start3A_547 = tpu.memref_slice %arg3[%add3A_542, %dma_start3A_546] : memref<3125x128xi32, #tpu.memory_space<hbm>> -> memref<1x128xi32, #tpu.memory_space<hbm>>
        %dma_start3A_548 = tpu.memref_squeeze %dma_start3A_547 : memref<1x128xi32, #tpu.memory_space<hbm>> -> memref<128xi32, #tpu.memory_space<hbm>>
        %dma_start3A_549 = arith.constant 0 : i32
        %dma_start3A_550 = tpu.memref_slice %arg5[%dma_start3A, %dma_start3A_549] : memref<7x128xi32, #tpu.memory_space<vmem>> -> memref<1x128xi32, #tpu.memory_space<vmem>>
        %dma_start3A_551 = tpu.memref_squeeze %dma_start3A_550 : memref<1x128xi32, #tpu.memory_space<vmem>> -> memref<128xi32, #tpu.memory_space<vmem>>
        %dma_start3A_552 = arith.constant 0 : i32
        %dma_start3A_553 = tpu.memref_slice %arg3[%add3A_542, %dma_start3A_552] : memref<3125x128xi32, #tpu.memory_space<hbm>> -> memref<1x128xi32, #tpu.memory_space<hbm>>
        %dma_start3A_554 = tpu.memref_squeeze %dma_start3A_553 : memref<1x128xi32, #tpu.memory_space<hbm>> -> memref<128xi32, #tpu.memory_space<hbm>>
        tpu.enqueue_dma source(%dma_start3A_554 : memref<128xi32, #tpu.memory_space<hbm>>) target(%dma_start3A_551 : memref<128xi32, #tpu.memory_space<vmem>>) target_semaphore(%arg11 : memref<!tpu.dma_semaphore, #tpu.memory_space<semaphore_mem>>)
      } else {
      }
      %mul3A_116 = arith.constant 7 : i32
      %mul3A_117 = arith.muli %scan3A_80, %mul3A_116 : i32
      %add3A_118 = arith.constant 0 : i32
      %add3A_119 = arith.addi %mul3A_117, %add3A_118 : i32
      %add3A_120 = arith.constant 2 : i32
      %add3A_121 = arith.addi %add3A_119, %add3A_120 : i32
      %mul3A_122 = arith.constant 32 : i32
      %mul3A_123 = arith.muli %add3A_121, %mul3A_122 : i32
      %add3A_124 = arith.addi %add3A, %mul3A_123 : i32
      %lt3A_125 = arith.constant 3125 : i32
      %lt3A_126 = arith.cmpi slt, %add3A_124, %lt3A_125 : i32
      %convert_element_type3A_127 = arith.extui %lt3A_126 : i1 to i32
      %cond3A_128 = arith.constant 0 : i32
      %cond3A_129 = arith.cmpi ne, %convert_element_type3A_127, %cond3A_128 : i32
      scf.if %cond3A_129 {
        %dma_wait3A = arith.constant 0 : i32
        %dma_wait3A_534 = arith.constant 2 : i32
        %dma_wait3A_535 = arith.constant 0 : i32
        %dma_wait3A_536 = tpu.memref_slice %arg5[%dma_wait3A_534, %dma_wait3A_535] : memref<7x128xi32, #tpu.memory_space<vmem>> -> memref<1x128xi32, #tpu.memory_space<vmem>>
        %dma_wait3A_537 = tpu.memref_squeeze %dma_wait3A_536 : memref<1x128xi32, #tpu.memory_space<vmem>> -> memref<128xi32, #tpu.memory_space<vmem>>
        %dma_wait3A_538 = arith.constant 0 : i32
        %dma_wait3A_539 = tpu.memref_slice %arg3[%dma_wait3A, %dma_wait3A_538] : memref<3125x128xi32, #tpu.memory_space<hbm>> -> memref<1x128xi32, #tpu.memory_space<hbm>>
        %dma_wait3A_540 = tpu.memref_squeeze %dma_wait3A_539 : memref<1x128xi32, #tpu.memory_space<hbm>> -> memref<128xi32, #tpu.memory_space<hbm>>
        %dma_wait3A_541 = arith.constant 0 : i32
        %dma_wait3A_542 = tpu.memref_slice %arg5[%dma_wait3A_534, %dma_wait3A_541] : memref<7x128xi32, #tpu.memory_space<vmem>> -> memref<1x128xi32, #tpu.memory_space<vmem>>
        %dma_wait3A_543 = tpu.memref_squeeze %dma_wait3A_542 : memref<1x128xi32, #tpu.memory_space<vmem>> -> memref<128xi32, #tpu.memory_space<vmem>>
        %dma_wait3A_544 = arith.constant 0 : i32
        %dma_wait3A_545 = tpu.memref_slice %arg3[%dma_wait3A, %dma_wait3A_544] : memref<3125x128xi32, #tpu.memory_space<hbm>> -> memref<1x128xi32, #tpu.memory_space<hbm>>
        %dma_wait3A_546 = tpu.memref_squeeze %dma_wait3A_545 : memref<1x128xi32, #tpu.memory_space<hbm>> -> memref<128xi32, #tpu.memory_space<hbm>>
        tpu.wait_dma2 semaphore(%arg9 : memref<!tpu.dma_semaphore, #tpu.memory_space<semaphore_mem>>) src(%dma_wait3A_546 : memref<128xi32, #tpu.memory_space<hbm>>) dst(%dma_wait3A_543 : memref<128xi32, #tpu.memory_space<vmem>>)
        %dma_start3A = arith.constant 2 : i32
        %dma_start3A_547 = arith.constant 2 : i32
        %dma_start3A_548 = arith.constant 0 : i32
        %dma_start3A_549 = arith.constant 0 : i32
        %dma_start3A_550 = tpu.memref_slice %arg6[%dma_start3A_547, %dma_start3A_548, %dma_start3A_549] : memref<7x128x128xf32, #tpu.memory_space<vmem>> -> memref<1x128x128xf32, #tpu.memory_space<vmem>>
        %dma_start3A_551 = tpu.memref_squeeze %dma_start3A_550 : memref<1x128x128xf32, #tpu.memory_space<vmem>> -> memref<128x128xf32, #tpu.memory_space<vmem>>
        %dma_start3A_552 = arith.constant 0 : i32
        %dma_start3A_553 = tpu.memref_slice %arg5[%dma_start3A, %dma_start3A_552] : memref<7x128xi32, #tpu.memory_space<vmem>> -> memref<1x128xi32, #tpu.memory_space<vmem>>
        %dma_start3A_554 = tpu.memref_squeeze %dma_start3A_553 : memref<1x128xi32, #tpu.memory_space<vmem>> -> memref<128xi32, #tpu.memory_space<vmem>>
        %dma_start3A_555 = arith.constant 0 : i32
        %dma_start3A_556 = arith.constant 0 : i32
        %dma_start3A_557 = tpu.memref_slice %arg2[%dma_start3A_555, %dma_start3A_556] : memref<100001x128xf32, #tpu.memory_space<hbm>> -> memref<100001x128xf32, #tpu.memory_space<hbm>>
        tpu.enqueue_indirect_dma source(%dma_start3A_557 : memref<100001x128xf32, #tpu.memory_space<hbm>>) target(%dma_start3A_551 : memref<128x128xf32, #tpu.memory_space<vmem>>) offsets(%dma_start3A_554 : memref<128xi32, #tpu.memory_space<vmem>>) semaphore(%arg16 : memref<!tpu.dma_semaphore, #tpu.memory_space<semaphore_mem>>)
      } else {
      }
      %mul3A_130 = arith.constant 7 : i32
      %mul3A_131 = arith.muli %scan3A_80, %mul3A_130 : i32
      %add3A_132 = arith.constant 0 : i32
      %add3A_133 = arith.addi %mul3A_131, %add3A_132 : i32
      %add3A_134 = arith.constant 0 : i32
      %add3A_135 = arith.addi %add3A_133, %add3A_134 : i32
      %mul3A_136 = arith.constant 32 : i32
      %mul3A_137 = arith.muli %add3A_135, %mul3A_136 : i32
      %add3A_138 = arith.addi %add3A, %mul3A_137 : i32
      %lt3A_139 = arith.constant 3125 : i32
      %lt3A_140 = arith.cmpi slt, %add3A_138, %lt3A_139 : i32
      %convert_element_type3A_141 = arith.extui %lt3A_140 : i1 to i32
      %cond3A_142 = arith.constant 0 : i32
      %cond3A_143 = arith.cmpi ne, %convert_element_type3A_141, %cond3A_142 : i32
      scf.if %cond3A_143 {
        %dma_wait3A = arith.constant 0 : i32
        %dma_wait3A_534 = arith.constant 0 : i32
        %dma_wait3A_535 = arith.constant 0 : i32
        %dma_wait3A_536 = tpu.memref_slice %arg6[%dma_wait3A, %dma_wait3A_534, %dma_wait3A_535] : memref<7x128x128xf32, #tpu.memory_space<vmem>> -> memref<1x128x128xf32, #tpu.memory_space<vmem>>
        %dma_wait3A_537 = tpu.memref_squeeze %dma_wait3A_536 : memref<1x128x128xf32, #tpu.memory_space<vmem>> -> memref<128x128xf32, #tpu.memory_space<vmem>>
        %dma_wait3A_538 = arith.constant 0 : i32
        %dma_wait3A_539 = arith.constant 0 : i32
        %dma_wait3A_540 = tpu.memref_slice %arg2[%dma_wait3A_538, %dma_wait3A_539] : memref<100001x128xf32, #tpu.memory_space<hbm>> -> memref<128x128xf32, #tpu.memory_space<hbm>>
        %dma_wait3A_541 = arith.constant 0 : i32
        %dma_wait3A_542 = arith.constant 0 : i32
        %dma_wait3A_543 = tpu.memref_slice %arg6[%dma_wait3A, %dma_wait3A_541, %dma_wait3A_542] : memref<7x128x128xf32, #tpu.memory_space<vmem>> -> memref<1x128x128xf32, #tpu.memory_space<vmem>>
        %dma_wait3A_544 = tpu.memref_squeeze %dma_wait3A_543 : memref<1x128x128xf32, #tpu.memory_space<vmem>> -> memref<128x128xf32, #tpu.memory_space<vmem>>
        %dma_wait3A_545 = arith.constant 0 : i32
        %dma_wait3A_546 = arith.constant 0 : i32
        %dma_wait3A_547 = tpu.memref_slice %arg2[%dma_wait3A_545, %dma_wait3A_546] : memref<100001x128xf32, #tpu.memory_space<hbm>> -> memref<128x128xf32, #tpu.memory_space<hbm>>
        tpu.wait_dma2 semaphore(%arg14 : memref<!tpu.dma_semaphore, #tpu.memory_space<semaphore_mem>>) src(%dma_wait3A_547 : memref<128x128xf32, #tpu.memory_space<hbm>>) dst(%dma_wait3A_544 : memref<128x128xf32, #tpu.memory_space<vmem>>)
        %mul3A_548 = arith.constant 7 : i32
        %mul3A_549 = arith.muli %scan3A_80, %mul3A_548 : i32
        %add3A_550 = arith.constant 0 : i32
        %add3A_551 = arith.addi %mul3A_549, %add3A_550 : i32
        %add3A_552 = arith.constant 0 : i32
        %add3A_553 = arith.addi %add3A_551, %add3A_552 : i32
        %mul3A_554 = arith.constant 32 : i32
        %mul3A_555 = arith.muli %add3A_553, %mul3A_554 : i32
        %add3A_556 = arith.addi %add3A, %mul3A_555 : i32
        %mul3A_557 = arith.constant 128 : i32
        %mul3A_558 = arith.muli %add3A_556, %mul3A_557 : i32
        %dma_start3A = arith.constant 0 : i32
        %dma_start3A_559 = arith.constant 0 : i32
        %dma_start3A_560 = arith.constant 0 : i32
        %dma_start3A_561 = tpu.memref_slice %arg6[%dma_start3A, %dma_start3A_559, %dma_start3A_560] : memref<7x128x128xf32, #tpu.memory_space<vmem>> -> memref<1x128x128xf32, #tpu.memory_space<vmem>>
        %dma_start3A_562 = tpu.memref_squeeze %dma_start3A_561 : memref<1x128x128xf32, #tpu.memory_space<vmem>> -> memref<128x128xf32, #tpu.memory_space<vmem>>
        %dma_start3A_563 = arith.constant 0 : i32
        %dma_start3A_564 = tpu.memref_slice %arg4[%mul3A_558, %dma_start3A_563] : memref<400000x128xf32, #tpu.memory_space<hbm>> -> memref<128x128xf32, #tpu.memory_space<hbm>>
        %dma_start3A_565 = arith.constant 0 : i32
        %dma_start3A_566 = tpu.memref_slice %arg4[%mul3A_558, %dma_start3A_565] : memref<400000x128xf32, #tpu.memory_space<hbm>> -> memref<128x128xf32, #tpu.memory_space<hbm>>
        %dma_start3A_567 = arith.constant 0 : i32
        %dma_start3A_568 = arith.constant 0 : i32
        %dma_start3A_569 = tpu.memref_slice %arg6[%dma_start3A, %dma_start3A_567, %dma_start3A_568] : memref<7x128x128xf32, #tpu.memory_space<vmem>> -> memref<1x128x128xf32, #tpu.memory_space<vmem>>
        %dma_start3A_570 = tpu.memref_squeeze %dma_start3A_569 : memref<1x128x128xf32, #tpu.memory_space<vmem>> -> memref<128x128xf32, #tpu.memory_space<vmem>>
        tpu.enqueue_dma source(%dma_start3A_570 : memref<128x128xf32, #tpu.memory_space<vmem>>) target(%dma_start3A_566 : memref<128x128xf32, #tpu.memory_space<hbm>>) target_semaphore(%arg21 : memref<!tpu.dma_semaphore, #tpu.memory_space<semaphore_mem>>)
      } else {
      }
      %mul3A_144 = arith.constant 7 : i32
      %mul3A_145 = arith.muli %scan3A_80, %mul3A_144 : i32
      %add3A_146 = arith.constant 1 : i32
      %add3A_147 = arith.addi %mul3A_145, %add3A_146 : i32
      %add3A_148 = arith.constant -5 : i32
      %add3A_149 = arith.addi %add3A_147, %add3A_148 : i32
      %mul3A_150 = arith.constant 32 : i32
      %mul3A_151 = arith.muli %add3A_149, %mul3A_150 : i32
      %add3A_152 = arith.addi %add3A, %mul3A_151 : i32
      %lt3A_153 = arith.constant 3125 : i32
      %lt3A_154 = arith.cmpi slt, %add3A_152, %lt3A_153 : i32
      %mul3A_155 = arith.constant 7 : i32
      %mul3A_156 = arith.muli %scan3A_80, %mul3A_155 : i32
      %add3A_157 = arith.constant 1 : i32
      %add3A_158 = arith.addi %mul3A_156, %add3A_157 : i32
      %add3A_159 = arith.constant 0 : i32
      %add3A_160 = arith.addi %add3A_158, %add3A_159 : i32
      %ge3A_161 = arith.constant 5 : i32
      %ge3A_162 = arith.cmpi sge, %add3A_160, %ge3A_161 : i32
      %and3A_163 = arith.andi %lt3A_154, %ge3A_162 : i1
      %convert_element_type3A_164 = arith.extui %and3A_163 : i1 to i32
      %cond3A_165 = arith.constant 0 : i32
      %cond3A_166 = arith.cmpi ne, %convert_element_type3A_164, %cond3A_165 : i32
      scf.if %cond3A_166 {
        %dma_wait3A = arith.constant 3 : i32
        %dma_wait3A_534 = arith.constant 0 : i32
        %dma_wait3A_535 = arith.constant 0 : i32
        %dma_wait3A_536 = tpu.memref_slice %arg6[%dma_wait3A, %dma_wait3A_534, %dma_wait3A_535] : memref<7x128x128xf32, #tpu.memory_space<vmem>> -> memref<1x128x128xf32, #tpu.memory_space<vmem>>
        %dma_wait3A_537 = tpu.memref_squeeze %dma_wait3A_536 : memref<1x128x128xf32, #tpu.memory_space<vmem>> -> memref<128x128xf32, #tpu.memory_space<vmem>>
        %dma_wait3A_538 = arith.constant 0 : i32
        %dma_wait3A_539 = arith.constant 0 : i32
        %dma_wait3A_540 = tpu.memref_slice %arg4[%dma_wait3A_538, %dma_wait3A_539] : memref<400000x128xf32, #tpu.memory_space<hbm>> -> memref<128x128xf32, #tpu.memory_space<hbm>>
        %dma_wait3A_541 = arith.constant 0 : i32
        %dma_wait3A_542 = arith.constant 0 : i32
        %dma_wait3A_543 = tpu.memref_slice %arg4[%dma_wait3A_541, %dma_wait3A_542] : memref<400000x128xf32, #tpu.memory_space<hbm>> -> memref<128x128xf32, #tpu.memory_space<hbm>>
        %dma_wait3A_544 = arith.constant 0 : i32
        %dma_wait3A_545 = arith.constant 0 : i32
        %dma_wait3A_546 = tpu.memref_slice %arg6[%dma_wait3A, %dma_wait3A_544, %dma_wait3A_545] : memref<7x128x128xf32, #tpu.memory_space<vmem>> -> memref<1x128x128xf32, #tpu.memory_space<vmem>>
        %dma_wait3A_547 = tpu.memref_squeeze %dma_wait3A_546 : memref<1x128x128xf32, #tpu.memory_space<vmem>> -> memref<128x128xf32, #tpu.memory_space<vmem>>
        tpu.wait_dma2 semaphore(%arg24 : memref<!tpu.dma_semaphore, #tpu.memory_space<semaphore_mem>>) src(%dma_wait3A_547 : memref<128x128xf32, #tpu.memory_space<vmem>>) dst(%dma_wait3A_543 : memref<128x128xf32, #tpu.memory_space<hbm>>)
      } else {
      }
      %mul3A_167 = arith.constant 7 : i32
      %mul3A_168 = arith.muli %scan3A_80, %mul3A_167 : i32
      %add3A_169 = arith.constant 1 : i32
      %add3A_170 = arith.addi %mul3A_168, %add3A_169 : i32
      %add3A_171 = arith.constant 4 : i32
      %add3A_172 = arith.addi %add3A_170, %add3A_171 : i32
      %mul3A_173 = arith.constant 32 : i32
      %mul3A_174 = arith.muli %add3A_172, %mul3A_173 : i32
      %add3A_175 = arith.addi %add3A, %mul3A_174 : i32
      %lt3A_176 = arith.constant 3125 : i32
      %lt3A_177 = arith.cmpi slt, %add3A_175, %lt3A_176 : i32
      %convert_element_type3A_178 = arith.extui %lt3A_177 : i1 to i32
      %cond3A_179 = arith.constant 0 : i32
      %cond3A_180 = arith.cmpi ne, %convert_element_type3A_178, %cond3A_179 : i32
      scf.if %cond3A_180 {
        %mul3A_534 = arith.constant 7 : i32
        %mul3A_535 = arith.muli %scan3A_80, %mul3A_534 : i32
        %add3A_536 = arith.constant 1 : i32
        %add3A_537 = arith.addi %mul3A_535, %add3A_536 : i32
        %add3A_538 = arith.constant 4 : i32
        %add3A_539 = arith.addi %add3A_537, %add3A_538 : i32
        %mul3A_540 = arith.constant 32 : i32
        %mul3A_541 = arith.muli %add3A_539, %mul3A_540 : i32
        %add3A_542 = arith.addi %add3A, %mul3A_541 : i32
        %dma_start3A = arith.constant 5 : i32
        %dma_start3A_543 = arith.constant 0 : i32
        %dma_start3A_544 = tpu.memref_slice %arg5[%dma_start3A, %dma_start3A_543] : memref<7x128xi32, #tpu.memory_space<vmem>> -> memref<1x128xi32, #tpu.memory_space<vmem>>
        %dma_start3A_545 = tpu.memref_squeeze %dma_start3A_544 : memref<1x128xi32, #tpu.memory_space<vmem>> -> memref<128xi32, #tpu.memory_space<vmem>>
        %dma_start3A_546 = arith.constant 0 : i32
        %dma_start3A_547 = tpu.memref_slice %arg3[%add3A_542, %dma_start3A_546] : memref<3125x128xi32, #tpu.memory_space<hbm>> -> memref<1x128xi32, #tpu.memory_space<hbm>>
        %dma_start3A_548 = tpu.memref_squeeze %dma_start3A_547 : memref<1x128xi32, #tpu.memory_space<hbm>> -> memref<128xi32, #tpu.memory_space<hbm>>
        %dma_start3A_549 = arith.constant 0 : i32
        %dma_start3A_550 = tpu.memref_slice %arg5[%dma_start3A, %dma_start3A_549] : memref<7x128xi32, #tpu.memory_space<vmem>> -> memref<1x128xi32, #tpu.memory_space<vmem>>
        %dma_start3A_551 = tpu.memref_squeeze %dma_start3A_550 : memref<1x128xi32, #tpu.memory_space<vmem>> -> memref<128xi32, #tpu.memory_space<vmem>>
        %dma_start3A_552 = arith.constant 0 : i32
        %dma_start3A_553 = tpu.memref_slice %arg3[%add3A_542, %dma_start3A_552] : memref<3125x128xi32, #tpu.memory_space<hbm>> -> memref<1x128xi32, #tpu.memory_space<hbm>>
        %dma_start3A_554 = tpu.memref_squeeze %dma_start3A_553 : memref<1x128xi32, #tpu.memory_space<hbm>> -> memref<128xi32, #tpu.memory_space<hbm>>
        tpu.enqueue_dma source(%dma_start3A_554 : memref<128xi32, #tpu.memory_space<hbm>>) target(%dma_start3A_551 : memref<128xi32, #tpu.memory_space<vmem>>) target_semaphore(%arg12 : memref<!tpu.dma_semaphore, #tpu.memory_space<semaphore_mem>>)
      } else {
      }
      %mul3A_181 = arith.constant 7 : i32
      %mul3A_182 = arith.muli %scan3A_80, %mul3A_181 : i32
      %add3A_183 = arith.constant 1 : i32
      %add3A_184 = arith.addi %mul3A_182, %add3A_183 : i32
      %add3A_185 = arith.constant 2 : i32
      %add3A_186 = arith.addi %add3A_184, %add3A_185 : i32
      %mul3A_187 = arith.constant 32 : i32
      %mul3A_188 = arith.muli %add3A_186, %mul3A_187 : i32
      %add3A_189 = arith.addi %add3A, %mul3A_188 : i32
      %lt3A_190 = arith.constant 3125 : i32
      %lt3A_191 = arith.cmpi slt, %add3A_189, %lt3A_190 : i32
      %convert_element_type3A_192 = arith.extui %lt3A_191 : i1 to i32
      %cond3A_193 = arith.constant 0 : i32
      %cond3A_194 = arith.cmpi ne, %convert_element_type3A_192, %cond3A_193 : i32
      scf.if %cond3A_194 {
        %dma_wait3A = arith.constant 0 : i32
        %dma_wait3A_534 = arith.constant 3 : i32
        %dma_wait3A_535 = arith.constant 0 : i32
        %dma_wait3A_536 = tpu.memref_slice %arg5[%dma_wait3A_534, %dma_wait3A_535] : memref<7x128xi32, #tpu.memory_space<vmem>> -> memref<1x128xi32, #tpu.memory_space<vmem>>
        %dma_wait3A_537 = tpu.memref_squeeze %dma_wait3A_536 : memref<1x128xi32, #tpu.memory_space<vmem>> -> memref<128xi32, #tpu.memory_space<vmem>>
        %dma_wait3A_538 = arith.constant 0 : i32
        %dma_wait3A_539 = tpu.memref_slice %arg3[%dma_wait3A, %dma_wait3A_538] : memref<3125x128xi32, #tpu.memory_space<hbm>> -> memref<1x128xi32, #tpu.memory_space<hbm>>
        %dma_wait3A_540 = tpu.memref_squeeze %dma_wait3A_539 : memref<1x128xi32, #tpu.memory_space<hbm>> -> memref<128xi32, #tpu.memory_space<hbm>>
        %dma_wait3A_541 = arith.constant 0 : i32
        %dma_wait3A_542 = tpu.memref_slice %arg5[%dma_wait3A_534, %dma_wait3A_541] : memref<7x128xi32, #tpu.memory_space<vmem>> -> memref<1x128xi32, #tpu.memory_space<vmem>>
        %dma_wait3A_543 = tpu.memref_squeeze %dma_wait3A_542 : memref<1x128xi32, #tpu.memory_space<vmem>> -> memref<128xi32, #tpu.memory_space<vmem>>
        %dma_wait3A_544 = arith.constant 0 : i32
        %dma_wait3A_545 = tpu.memref_slice %arg3[%dma_wait3A, %dma_wait3A_544] : memref<3125x128xi32, #tpu.memory_space<hbm>> -> memref<1x128xi32, #tpu.memory_space<hbm>>
        %dma_wait3A_546 = tpu.memref_squeeze %dma_wait3A_545 : memref<1x128xi32, #tpu.memory_space<hbm>> -> memref<128xi32, #tpu.memory_space<hbm>>
        tpu.wait_dma2 semaphore(%arg10 : memref<!tpu.dma_semaphore, #tpu.memory_space<semaphore_mem>>) src(%dma_wait3A_546 : memref<128xi32, #tpu.memory_space<hbm>>) dst(%dma_wait3A_543 : memref<128xi32, #tpu.memory_space<vmem>>)
        %dma_start3A = arith.constant 3 : i32
        %dma_start3A_547 = arith.constant 3 : i32
        %dma_start3A_548 = arith.constant 0 : i32
        %dma_start3A_549 = arith.constant 0 : i32
        %dma_start3A_550 = tpu.memref_slice %arg6[%dma_start3A_547, %dma_start3A_548, %dma_start3A_549] : memref<7x128x128xf32, #tpu.memory_space<vmem>> -> memref<1x128x128xf32, #tpu.memory_space<vmem>>
        %dma_start3A_551 = tpu.memref_squeeze %dma_start3A_550 : memref<1x128x128xf32, #tpu.memory_space<vmem>> -> memref<128x128xf32, #tpu.memory_space<vmem>>
        %dma_start3A_552 = arith.constant 0 : i32
        %dma_start3A_553 = tpu.memref_slice %arg5[%dma_start3A, %dma_start3A_552] : memref<7x128xi32, #tpu.memory_space<vmem>> -> memref<1x128xi32, #tpu.memory_space<vmem>>
        %dma_start3A_554 = tpu.memref_squeeze %dma_start3A_553 : memref<1x128xi32, #tpu.memory_space<vmem>> -> memref<128xi32, #tpu.memory_space<vmem>>
        %dma_start3A_555 = arith.constant 0 : i32
        %dma_start3A_556 = arith.constant 0 : i32
        %dma_start3A_557 = tpu.memref_slice %arg2[%dma_start3A_555, %dma_start3A_556] : memref<100001x128xf32, #tpu.memory_space<hbm>> -> memref<100001x128xf32, #tpu.memory_space<hbm>>
        tpu.enqueue_indirect_dma source(%dma_start3A_557 : memref<100001x128xf32, #tpu.memory_space<hbm>>) target(%dma_start3A_551 : memref<128x128xf32, #tpu.memory_space<vmem>>) offsets(%dma_start3A_554 : memref<128xi32, #tpu.memory_space<vmem>>) semaphore(%arg17 : memref<!tpu.dma_semaphore, #tpu.memory_space<semaphore_mem>>)
      } else {
      }
      %mul3A_195 = arith.constant 7 : i32
      %mul3A_196 = arith.muli %scan3A_80, %mul3A_195 : i32
      %add3A_197 = arith.constant 1 : i32
      %add3A_198 = arith.addi %mul3A_196, %add3A_197 : i32
      %add3A_199 = arith.constant 0 : i32
      %add3A_200 = arith.addi %add3A_198, %add3A_199 : i32
      %mul3A_201 = arith.constant 32 : i32
      %mul3A_202 = arith.muli %add3A_200, %mul3A_201 : i32
      %add3A_203 = arith.addi %add3A, %mul3A_202 : i32
      %lt3A_204 = arith.constant 3125 : i32
      %lt3A_205 = arith.cmpi slt, %add3A_203, %lt3A_204 : i32
      %convert_element_type3A_206 = arith.extui %lt3A_205 : i1 to i32
      %cond3A_207 = arith.constant 0 : i32
      %cond3A_208 = arith.cmpi ne, %convert_element_type3A_206, %cond3A_207 : i32
      scf.if %cond3A_208 {
        %dma_wait3A = arith.constant 1 : i32
        %dma_wait3A_534 = arith.constant 0 : i32
        %dma_wait3A_535 = arith.constant 0 : i32
        %dma_wait3A_536 = tpu.memref_slice %arg6[%dma_wait3A, %dma_wait3A_534, %dma_wait3A_535] : memref<7x128x128xf32, #tpu.memory_space<vmem>> -> memref<1x128x128xf32, #tpu.memory_space<vmem>>
        %dma_wait3A_537 = tpu.memref_squeeze %dma_wait3A_536 : memref<1x128x128xf32, #tpu.memory_space<vmem>> -> memref<128x128xf32, #tpu.memory_space<vmem>>
        %dma_wait3A_538 = arith.constant 0 : i32
        %dma_wait3A_539 = arith.constant 0 : i32
        %dma_wait3A_540 = tpu.memref_slice %arg2[%dma_wait3A_538, %dma_wait3A_539] : memref<100001x128xf32, #tpu.memory_space<hbm>> -> memref<128x128xf32, #tpu.memory_space<hbm>>
        %dma_wait3A_541 = arith.constant 0 : i32
        %dma_wait3A_542 = arith.constant 0 : i32
        %dma_wait3A_543 = tpu.memref_slice %arg6[%dma_wait3A, %dma_wait3A_541, %dma_wait3A_542] : memref<7x128x128xf32, #tpu.memory_space<vmem>> -> memref<1x128x128xf32, #tpu.memory_space<vmem>>
        %dma_wait3A_544 = tpu.memref_squeeze %dma_wait3A_543 : memref<1x128x128xf32, #tpu.memory_space<vmem>> -> memref<128x128xf32, #tpu.memory_space<vmem>>
        %dma_wait3A_545 = arith.constant 0 : i32
        %dma_wait3A_546 = arith.constant 0 : i32
        %dma_wait3A_547 = tpu.memref_slice %arg2[%dma_wait3A_545, %dma_wait3A_546] : memref<100001x128xf32, #tpu.memory_space<hbm>> -> memref<128x128xf32, #tpu.memory_space<hbm>>
        tpu.wait_dma2 semaphore(%arg15 : memref<!tpu.dma_semaphore, #tpu.memory_space<semaphore_mem>>) src(%dma_wait3A_547 : memref<128x128xf32, #tpu.memory_space<hbm>>) dst(%dma_wait3A_544 : memref<128x128xf32, #tpu.memory_space<vmem>>)
        %mul3A_548 = arith.constant 7 : i32
        %mul3A_549 = arith.muli %scan3A_80, %mul3A_548 : i32
        %add3A_550 = arith.constant 1 : i32
        %add3A_551 = arith.addi %mul3A_549, %add3A_550 : i32
        %add3A_552 = arith.constant 0 : i32
        %add3A_553 = arith.addi %add3A_551, %add3A_552 : i32
        %mul3A_554 = arith.constant 32 : i32
        %mul3A_555 = arith.muli %add3A_553, %mul3A_554 : i32
        %add3A_556 = arith.addi %add3A, %mul3A_555 : i32
        %mul3A_557 = arith.constant 128 : i32
        %mul3A_558 = arith.muli %add3A_556, %mul3A_557 : i32
        %dma_start3A = arith.constant 1 : i32
        %dma_start3A_559 = arith.constant 0 : i32
        %dma_start3A_560 = arith.constant 0 : i32
        %dma_start3A_561 = tpu.memref_slice %arg6[%dma_start3A, %dma_start3A_559, %dma_start3A_560] : memref<7x128x128xf32, #tpu.memory_space<vmem>> -> memref<1x128x128xf32, #tpu.memory_space<vmem>>
        %dma_start3A_562 = tpu.memref_squeeze %dma_start3A_561 : memref<1x128x128xf32, #tpu.memory_space<vmem>> -> memref<128x128xf32, #tpu.memory_space<vmem>>
        %dma_start3A_563 = arith.constant 0 : i32
        %dma_start3A_564 = tpu.memref_slice %arg4[%mul3A_558, %dma_start3A_563] : memref<400000x128xf32, #tpu.memory_space<hbm>> -> memref<128x128xf32, #tpu.memory_space<hbm>>
        %dma_start3A_565 = arith.constant 0 : i32
        %dma_start3A_566 = tpu.memref_slice %arg4[%mul3A_558, %dma_start3A_565] : memref<400000x128xf32, #tpu.memory_space<hbm>> -> memref<128x128xf32, #tpu.memory_space<hbm>>
        %dma_start3A_567 = arith.constant 0 : i32
        %dma_start3A_568 = arith.constant 0 : i32
        %dma_start3A_569 = tpu.memref_slice %arg6[%dma_start3A, %dma_start3A_567, %dma_start3A_568] : memref<7x128x128xf32, #tpu.memory_space<vmem>> -> memref<1x128x128xf32, #tpu.memory_space<vmem>>
        %dma_start3A_570 = tpu.memref_squeeze %dma_start3A_569 : memref<1x128x128xf32, #tpu.memory_space<vmem>> -> memref<128x128xf32, #tpu.memory_space<vmem>>
        tpu.enqueue_dma source(%dma_start3A_570 : memref<128x128xf32, #tpu.memory_space<vmem>>) target(%dma_start3A_566 : memref<128x128xf32, #tpu.memory_space<hbm>>) target_semaphore(%arg22 : memref<!tpu.dma_semaphore, #tpu.memory_space<semaphore_mem>>)
      } else {
      }
      %mul3A_209 = arith.constant 7 : i32
      %mul3A_210 = arith.muli %scan3A_80, %mul3A_209 : i32
      %add3A_211 = arith.constant 2 : i32
      %add3A_212 = arith.addi %mul3A_210, %add3A_211 : i32
      %add3A_213 = arith.constant -5 : i32
      %add3A_214 = arith.addi %add3A_212, %add3A_213 : i32
      %mul3A_215 = arith.constant 32 : i32
      %mul3A_216 = arith.muli %add3A_214, %mul3A_215 : i32
      %add3A_217 = arith.addi %add3A, %mul3A_216 : i32
      %lt3A_218 = arith.constant 3125 : i32
      %lt3A_219 = arith.cmpi slt, %add3A_217, %lt3A_218 : i32
      %mul3A_220 = arith.constant 7 : i32
      %mul3A_221 = arith.muli %scan3A_80, %mul3A_220 : i32
      %add3A_222 = arith.constant 2 : i32
      %add3A_223 = arith.addi %mul3A_221, %add3A_222 : i32
      %add3A_224 = arith.constant 0 : i32
      %add3A_225 = arith.addi %add3A_223, %add3A_224 : i32
      %ge3A_226 = arith.constant 5 : i32
      %ge3A_227 = arith.cmpi sge, %add3A_225, %ge3A_226 : i32
      %and3A_228 = arith.andi %lt3A_219, %ge3A_227 : i1
      %convert_element_type3A_229 = arith.extui %and3A_228 : i1 to i32
      %cond3A_230 = arith.constant 0 : i32
      %cond3A_231 = arith.cmpi ne, %convert_element_type3A_229, %cond3A_230 : i32
      scf.if %cond3A_231 {
        %dma_wait3A = arith.constant 4 : i32
        %dma_wait3A_534 = arith.constant 0 : i32
        %dma_wait3A_535 = arith.constant 0 : i32
        %dma_wait3A_536 = tpu.memref_slice %arg6[%dma_wait3A, %dma_wait3A_534, %dma_wait3A_535] : memref<7x128x128xf32, #tpu.memory_space<vmem>> -> memref<1x128x128xf32, #tpu.memory_space<vmem>>
        %dma_wait3A_537 = tpu.memref_squeeze %dma_wait3A_536 : memref<1x128x128xf32, #tpu.memory_space<vmem>> -> memref<128x128xf32, #tpu.memory_space<vmem>>
        %dma_wait3A_538 = arith.constant 0 : i32
        %dma_wait3A_539 = arith.constant 0 : i32
        %dma_wait3A_540 = tpu.memref_slice %arg4[%dma_wait3A_538, %dma_wait3A_539] : memref<400000x128xf32, #tpu.memory_space<hbm>> -> memref<128x128xf32, #tpu.memory_space<hbm>>
        %dma_wait3A_541 = arith.constant 0 : i32
        %dma_wait3A_542 = arith.constant 0 : i32
        %dma_wait3A_543 = tpu.memref_slice %arg4[%dma_wait3A_541, %dma_wait3A_542] : memref<400000x128xf32, #tpu.memory_space<hbm>> -> memref<128x128xf32, #tpu.memory_space<hbm>>
        %dma_wait3A_544 = arith.constant 0 : i32
        %dma_wait3A_545 = arith.constant 0 : i32
        %dma_wait3A_546 = tpu.memref_slice %arg6[%dma_wait3A, %dma_wait3A_544, %dma_wait3A_545] : memref<7x128x128xf32, #tpu.memory_space<vmem>> -> memref<1x128x128xf32, #tpu.memory_space<vmem>>
        %dma_wait3A_547 = tpu.memref_squeeze %dma_wait3A_546 : memref<1x128x128xf32, #tpu.memory_space<vmem>> -> memref<128x128xf32, #tpu.memory_space<vmem>>
        tpu.wait_dma2 semaphore(%arg25 : memref<!tpu.dma_semaphore, #tpu.memory_space<semaphore_mem>>) src(%dma_wait3A_547 : memref<128x128xf32, #tpu.memory_space<vmem>>) dst(%dma_wait3A_543 : memref<128x128xf32, #tpu.memory_space<hbm>>)
      } else {
      }
      %mul3A_232 = arith.constant 7 : i32
      %mul3A_233 = arith.muli %scan3A_80, %mul3A_232 : i32
      %add3A_234 = arith.constant 2 : i32
      %add3A_235 = arith.addi %mul3A_233, %add3A_234 : i32
      %add3A_236 = arith.constant 4 : i32
      %add3A_237 = arith.addi %add3A_235, %add3A_236 : i32
      %mul3A_238 = arith.constant 32 : i32
      %mul3A_239 = arith.muli %add3A_237, %mul3A_238 : i32
      %add3A_240 = arith.addi %add3A, %mul3A_239 : i32
      %lt3A_241 = arith.constant 3125 : i32
      %lt3A_242 = arith.cmpi slt, %add3A_240, %lt3A_241 : i32
      %convert_element_type3A_243 = arith.extui %lt3A_242 : i1 to i32
      %cond3A_244 = arith.constant 0 : i32
      %cond3A_245 = arith.cmpi ne, %convert_element_type3A_243, %cond3A_244 : i32
      scf.if %cond3A_245 {
        %mul3A_534 = arith.constant 7 : i32
        %mul3A_535 = arith.muli %scan3A_80, %mul3A_534 : i32
        %add3A_536 = arith.constant 2 : i32
        %add3A_537 = arith.addi %mul3A_535, %add3A_536 : i32
        %add3A_538 = arith.constant 4 : i32
        %add3A_539 = arith.addi %add3A_537, %add3A_538 : i32
        %mul3A_540 = arith.constant 32 : i32
        %mul3A_541 = arith.muli %add3A_539, %mul3A_540 : i32
        %add3A_542 = arith.addi %add3A, %mul3A_541 : i32
        %dma_start3A = arith.constant 6 : i32
        %dma_start3A_543 = arith.constant 0 : i32
        %dma_start3A_544 = tpu.memref_slice %arg5[%dma_start3A, %dma_start3A_543] : memref<7x128xi32, #tpu.memory_space<vmem>> -> memref<1x128xi32, #tpu.memory_space<vmem>>
        %dma_start3A_545 = tpu.memref_squeeze %dma_start3A_544 : memref<1x128xi32, #tpu.memory_space<vmem>> -> memref<128xi32, #tpu.memory_space<vmem>>
        %dma_start3A_546 = arith.constant 0 : i32
        %dma_start3A_547 = tpu.memref_slice %arg3[%add3A_542, %dma_start3A_546] : memref<3125x128xi32, #tpu.memory_space<hbm>> -> memref<1x128xi32, #tpu.memory_space<hbm>>
        %dma_start3A_548 = tpu.memref_squeeze %dma_start3A_547 : memref<1x128xi32, #tpu.memory_space<hbm>> -> memref<128xi32, #tpu.memory_space<hbm>>
        %dma_start3A_549 = arith.constant 0 : i32
        %dma_start3A_550 = tpu.memref_slice %arg5[%dma_start3A, %dma_start3A_549] : memref<7x128xi32, #tpu.memory_space<vmem>> -> memref<1x128xi32, #tpu.memory_space<vmem>>
        %dma_start3A_551 = tpu.memref_squeeze %dma_start3A_550 : memref<1x128xi32, #tpu.memory_space<vmem>> -> memref<128xi32, #tpu.memory_space<vmem>>
        %dma_start3A_552 = arith.constant 0 : i32
        %dma_start3A_553 = tpu.memref_slice %arg3[%add3A_542, %dma_start3A_552] : memref<3125x128xi32, #tpu.memory_space<hbm>> -> memref<1x128xi32, #tpu.memory_space<hbm>>
        %dma_start3A_554 = tpu.memref_squeeze %dma_start3A_553 : memref<1x128xi32, #tpu.memory_space<hbm>> -> memref<128xi32, #tpu.memory_space<hbm>>
        tpu.enqueue_dma source(%dma_start3A_554 : memref<128xi32, #tpu.memory_space<hbm>>) target(%dma_start3A_551 : memref<128xi32, #tpu.memory_space<vmem>>) target_semaphore(%arg13 : memref<!tpu.dma_semaphore, #tpu.memory_space<semaphore_mem>>)
      } else {
      }
      %mul3A_246 = arith.constant 7 : i32
      %mul3A_247 = arith.muli %scan3A_80, %mul3A_246 : i32
      %add3A_248 = arith.constant 2 : i32
      %add3A_249 = arith.addi %mul3A_247, %add3A_248 : i32
      %add3A_250 = arith.constant 2 : i32
      %add3A_251 = arith.addi %add3A_249, %add3A_250 : i32
      %mul3A_252 = arith.constant 32 : i32
      %mul3A_253 = arith.muli %add3A_251, %mul3A_252 : i32
      %add3A_254 = arith.addi %add3A, %mul3A_253 : i32
      %lt3A_255 = arith.constant 3125 : i32
      %lt3A_256 = arith.cmpi slt, %add3A_254, %lt3A_255 : i32
      %convert_element_type3A_257 = arith.extui %lt3A_256 : i1 to i32
      %cond3A_258 = arith.constant 0 : i32
      %cond3A_259 = arith.cmpi ne, %convert_element_type3A_257, %cond3A_258 : i32
      scf.if %cond3A_259 {
        %dma_wait3A = arith.constant 0 : i32
        %dma_wait3A_534 = arith.constant 4 : i32
        %dma_wait3A_535 = arith.constant 0 : i32
        %dma_wait3A_536 = tpu.memref_slice %arg5[%dma_wait3A_534, %dma_wait3A_535] : memref<7x128xi32, #tpu.memory_space<vmem>> -> memref<1x128xi32, #tpu.memory_space<vmem>>
        %dma_wait3A_537 = tpu.memref_squeeze %dma_wait3A_536 : memref<1x128xi32, #tpu.memory_space<vmem>> -> memref<128xi32, #tpu.memory_space<vmem>>
        %dma_wait3A_538 = arith.constant 0 : i32
        %dma_wait3A_539 = tpu.memref_slice %arg3[%dma_wait3A, %dma_wait3A_538] : memref<3125x128xi32, #tpu.memory_space<hbm>> -> memref<1x128xi32, #tpu.memory_space<hbm>>
        %dma_wait3A_540 = tpu.memref_squeeze %dma_wait3A_539 : memref<1x128xi32, #tpu.memory_space<hbm>> -> memref<128xi32, #tpu.memory_space<hbm>>
        %dma_wait3A_541 = arith.constant 0 : i32
        %dma_wait3A_542 = tpu.memref_slice %arg5[%dma_wait3A_534, %dma_wait3A_541] : memref<7x128xi32, #tpu.memory_space<vmem>> -> memref<1x128xi32, #tpu.memory_space<vmem>>
        %dma_wait3A_543 = tpu.memref_squeeze %dma_wait3A_542 : memref<1x128xi32, #tpu.memory_space<vmem>> -> memref<128xi32, #tpu.memory_space<vmem>>
        %dma_wait3A_544 = arith.constant 0 : i32
        %dma_wait3A_545 = tpu.memref_slice %arg3[%dma_wait3A, %dma_wait3A_544] : memref<3125x128xi32, #tpu.memory_space<hbm>> -> memref<1x128xi32, #tpu.memory_space<hbm>>
        %dma_wait3A_546 = tpu.memref_squeeze %dma_wait3A_545 : memref<1x128xi32, #tpu.memory_space<hbm>> -> memref<128xi32, #tpu.memory_space<hbm>>
        tpu.wait_dma2 semaphore(%arg11 : memref<!tpu.dma_semaphore, #tpu.memory_space<semaphore_mem>>) src(%dma_wait3A_546 : memref<128xi32, #tpu.memory_space<hbm>>) dst(%dma_wait3A_543 : memref<128xi32, #tpu.memory_space<vmem>>)
        %dma_start3A = arith.constant 4 : i32
        %dma_start3A_547 = arith.constant 4 : i32
        %dma_start3A_548 = arith.constant 0 : i32
        %dma_start3A_549 = arith.constant 0 : i32
        %dma_start3A_550 = tpu.memref_slice %arg6[%dma_start3A_547, %dma_start3A_548, %dma_start3A_549] : memref<7x128x128xf32, #tpu.memory_space<vmem>> -> memref<1x128x128xf32, #tpu.memory_space<vmem>>
        %dma_start3A_551 = tpu.memref_squeeze %dma_start3A_550 : memref<1x128x128xf32, #tpu.memory_space<vmem>> -> memref<128x128xf32, #tpu.memory_space<vmem>>
        %dma_start3A_552 = arith.constant 0 : i32
        %dma_start3A_553 = tpu.memref_slice %arg5[%dma_start3A, %dma_start3A_552] : memref<7x128xi32, #tpu.memory_space<vmem>> -> memref<1x128xi32, #tpu.memory_space<vmem>>
        %dma_start3A_554 = tpu.memref_squeeze %dma_start3A_553 : memref<1x128xi32, #tpu.memory_space<vmem>> -> memref<128xi32, #tpu.memory_space<vmem>>
        %dma_start3A_555 = arith.constant 0 : i32
        %dma_start3A_556 = arith.constant 0 : i32
        %dma_start3A_557 = tpu.memref_slice %arg2[%dma_start3A_555, %dma_start3A_556] : memref<100001x128xf32, #tpu.memory_space<hbm>> -> memref<100001x128xf32, #tpu.memory_space<hbm>>
        tpu.enqueue_indirect_dma source(%dma_start3A_557 : memref<100001x128xf32, #tpu.memory_space<hbm>>) target(%dma_start3A_551 : memref<128x128xf32, #tpu.memory_space<vmem>>) offsets(%dma_start3A_554 : memref<128xi32, #tpu.memory_space<vmem>>) semaphore(%arg18 : memref<!tpu.dma_semaphore, #tpu.memory_space<semaphore_mem>>)
      } else {
      }
      %mul3A_260 = arith.constant 7 : i32
      %mul3A_261 = arith.muli %scan3A_80, %mul3A_260 : i32
      %add3A_262 = arith.constant 2 : i32
      %add3A_263 = arith.addi %mul3A_261, %add3A_262 : i32
      %add3A_264 = arith.constant 0 : i32
      %add3A_265 = arith.addi %add3A_263, %add3A_264 : i32
      %mul3A_266 = arith.constant 32 : i32
      %mul3A_267 = arith.muli %add3A_265, %mul3A_266 : i32
      %add3A_268 = arith.addi %add3A, %mul3A_267 : i32
      %lt3A_269 = arith.constant 3125 : i32
      %lt3A_270 = arith.cmpi slt, %add3A_268, %lt3A_269 : i32
      %convert_element_type3A_271 = arith.extui %lt3A_270 : i1 to i32
      %cond3A_272 = arith.constant 0 : i32
      %cond3A_273 = arith.cmpi ne, %convert_element_type3A_271, %cond3A_272 : i32
      scf.if %cond3A_273 {
        %dma_wait3A = arith.constant 2 : i32
        %dma_wait3A_534 = arith.constant 0 : i32
        %dma_wait3A_535 = arith.constant 0 : i32
        %dma_wait3A_536 = tpu.memref_slice %arg6[%dma_wait3A, %dma_wait3A_534, %dma_wait3A_535] : memref<7x128x128xf32, #tpu.memory_space<vmem>> -> memref<1x128x128xf32, #tpu.memory_space<vmem>>
        %dma_wait3A_537 = tpu.memref_squeeze %dma_wait3A_536 : memref<1x128x128xf32, #tpu.memory_space<vmem>> -> memref<128x128xf32, #tpu.memory_space<vmem>>
        %dma_wait3A_538 = arith.constant 0 : i32
        %dma_wait3A_539 = arith.constant 0 : i32
        %dma_wait3A_540 = tpu.memref_slice %arg2[%dma_wait3A_538, %dma_wait3A_539] : memref<100001x128xf32, #tpu.memory_space<hbm>> -> memref<128x128xf32, #tpu.memory_space<hbm>>
        %dma_wait3A_541 = arith.constant 0 : i32
        %dma_wait3A_542 = arith.constant 0 : i32
        %dma_wait3A_543 = tpu.memref_slice %arg6[%dma_wait3A, %dma_wait3A_541, %dma_wait3A_542] : memref<7x128x128xf32, #tpu.memory_space<vmem>> -> memref<1x128x128xf32, #tpu.memory_space<vmem>>
        %dma_wait3A_544 = tpu.memref_squeeze %dma_wait3A_543 : memref<1x128x128xf32, #tpu.memory_space<vmem>> -> memref<128x128xf32, #tpu.memory_space<vmem>>
        %dma_wait3A_545 = arith.constant 0 : i32
        %dma_wait3A_546 = arith.constant 0 : i32
        %dma_wait3A_547 = tpu.memref_slice %arg2[%dma_wait3A_545, %dma_wait3A_546] : memref<100001x128xf32, #tpu.memory_space<hbm>> -> memref<128x128xf32, #tpu.memory_space<hbm>>
        tpu.wait_dma2 semaphore(%arg16 : memref<!tpu.dma_semaphore, #tpu.memory_space<semaphore_mem>>) src(%dma_wait3A_547 : memref<128x128xf32, #tpu.memory_space<hbm>>) dst(%dma_wait3A_544 : memref<128x128xf32, #tpu.memory_space<vmem>>)
        %mul3A_548 = arith.constant 7 : i32
        %mul3A_549 = arith.muli %scan3A_80, %mul3A_548 : i32
        %add3A_550 = arith.constant 2 : i32
        %add3A_551 = arith.addi %mul3A_549, %add3A_550 : i32
        %add3A_552 = arith.constant 0 : i32
        %add3A_553 = arith.addi %add3A_551, %add3A_552 : i32
        %mul3A_554 = arith.constant 32 : i32
        %mul3A_555 = arith.muli %add3A_553, %mul3A_554 : i32
        %add3A_556 = arith.addi %add3A, %mul3A_555 : i32
        %mul3A_557 = arith.constant 128 : i32
        %mul3A_558 = arith.muli %add3A_556, %mul3A_557 : i32
        %dma_start3A = arith.constant 2 : i32
        %dma_start3A_559 = arith.constant 0 : i32
        %dma_start3A_560 = arith.constant 0 : i32
        %dma_start3A_561 = tpu.memref_slice %arg6[%dma_start3A, %dma_start3A_559, %dma_start3A_560] : memref<7x128x128xf32, #tpu.memory_space<vmem>> -> memref<1x128x128xf32, #tpu.memory_space<vmem>>
        %dma_start3A_562 = tpu.memref_squeeze %dma_start3A_561 : memref<1x128x128xf32, #tpu.memory_space<vmem>> -> memref<128x128xf32, #tpu.memory_space<vmem>>
        %dma_start3A_563 = arith.constant 0 : i32
        %dma_start3A_564 = tpu.memref_slice %arg4[%mul3A_558, %dma_start3A_563] : memref<400000x128xf32, #tpu.memory_space<hbm>> -> memref<128x128xf32, #tpu.memory_space<hbm>>
        %dma_start3A_565 = arith.constant 0 : i32
        %dma_start3A_566 = tpu.memref_slice %arg4[%mul3A_558, %dma_start3A_565] : memref<400000x128xf32, #tpu.memory_space<hbm>> -> memref<128x128xf32, #tpu.memory_space<hbm>>
        %dma_start3A_567 = arith.constant 0 : i32
        %dma_start3A_568 = arith.constant 0 : i32
        %dma_start3A_569 = tpu.memref_slice %arg6[%dma_start3A, %dma_start3A_567, %dma_start3A_568] : memref<7x128x128xf32, #tpu.memory_space<vmem>> -> memref<1x128x128xf32, #tpu.memory_space<vmem>>
        %dma_start3A_570 = tpu.memref_squeeze %dma_start3A_569 : memref<1x128x128xf32, #tpu.memory_space<vmem>> -> memref<128x128xf32, #tpu.memory_space<vmem>>
        tpu.enqueue_dma source(%dma_start3A_570 : memref<128x128xf32, #tpu.memory_space<vmem>>) target(%dma_start3A_566 : memref<128x128xf32, #tpu.memory_space<hbm>>) target_semaphore(%arg23 : memref<!tpu.dma_semaphore, #tpu.memory_space<semaphore_mem>>)
      } else {
      }
      %mul3A_274 = arith.constant 7 : i32
      %mul3A_275 = arith.muli %scan3A_80, %mul3A_274 : i32
      %add3A_276 = arith.constant 3 : i32
      %add3A_277 = arith.addi %mul3A_275, %add3A_276 : i32
      %add3A_278 = arith.constant -5 : i32
      %add3A_279 = arith.addi %add3A_277, %add3A_278 : i32
      %mul3A_280 = arith.constant 32 : i32
      %mul3A_281 = arith.muli %add3A_279, %mul3A_280 : i32
      %add3A_282 = arith.addi %add3A, %mul3A_281 : i32
      %lt3A_283 = arith.constant 3125 : i32
      %lt3A_284 = arith.cmpi slt, %add3A_282, %lt3A_283 : i32
      %mul3A_285 = arith.constant 7 : i32
      %mul3A_286 = arith.muli %scan3A_80, %mul3A_285 : i32
      %add3A_287 = arith.constant 3 : i32
      %add3A_288 = arith.addi %mul3A_286, %add3A_287 : i32
      %add3A_289 = arith.constant 0 : i32
      %add3A_290 = arith.addi %add3A_288, %add3A_289 : i32
      %ge3A_291 = arith.constant 5 : i32
      %ge3A_292 = arith.cmpi sge, %add3A_290, %ge3A_291 : i32
      %and3A_293 = arith.andi %lt3A_284, %ge3A_292 : i1
      %convert_element_type3A_294 = arith.extui %and3A_293 : i1 to i32
      %cond3A_295 = arith.constant 0 : i32
      %cond3A_296 = arith.cmpi ne, %convert_element_type3A_294, %cond3A_295 : i32
      scf.if %cond3A_296 {
        %dma_wait3A = arith.constant 5 : i32
        %dma_wait3A_534 = arith.constant 0 : i32
        %dma_wait3A_535 = arith.constant 0 : i32
        %dma_wait3A_536 = tpu.memref_slice %arg6[%dma_wait3A, %dma_wait3A_534, %dma_wait3A_535] : memref<7x128x128xf32, #tpu.memory_space<vmem>> -> memref<1x128x128xf32, #tpu.memory_space<vmem>>
        %dma_wait3A_537 = tpu.memref_squeeze %dma_wait3A_536 : memref<1x128x128xf32, #tpu.memory_space<vmem>> -> memref<128x128xf32, #tpu.memory_space<vmem>>
        %dma_wait3A_538 = arith.constant 0 : i32
        %dma_wait3A_539 = arith.constant 0 : i32
        %dma_wait3A_540 = tpu.memref_slice %arg4[%dma_wait3A_538, %dma_wait3A_539] : memref<400000x128xf32, #tpu.memory_space<hbm>> -> memref<128x128xf32, #tpu.memory_space<hbm>>
        %dma_wait3A_541 = arith.constant 0 : i32
        %dma_wait3A_542 = arith.constant 0 : i32
        %dma_wait3A_543 = tpu.memref_slice %arg4[%dma_wait3A_541, %dma_wait3A_542] : memref<400000x128xf32, #tpu.memory_space<hbm>> -> memref<128x128xf32, #tpu.memory_space<hbm>>
        %dma_wait3A_544 = arith.constant 0 : i32
        %dma_wait3A_545 = arith.constant 0 : i32
        %dma_wait3A_546 = tpu.memref_slice %arg6[%dma_wait3A, %dma_wait3A_544, %dma_wait3A_545] : memref<7x128x128xf32, #tpu.memory_space<vmem>> -> memref<1x128x128xf32, #tpu.memory_space<vmem>>
        %dma_wait3A_547 = tpu.memref_squeeze %dma_wait3A_546 : memref<1x128x128xf32, #tpu.memory_space<vmem>> -> memref<128x128xf32, #tpu.memory_space<vmem>>
        tpu.wait_dma2 semaphore(%arg26 : memref<!tpu.dma_semaphore, #tpu.memory_space<semaphore_mem>>) src(%dma_wait3A_547 : memref<128x128xf32, #tpu.memory_space<vmem>>) dst(%dma_wait3A_543 : memref<128x128xf32, #tpu.memory_space<hbm>>)
      } else {
      }
      %mul3A_297 = arith.constant 7 : i32
      %mul3A_298 = arith.muli %scan3A_80, %mul3A_297 : i32
      %add3A_299 = arith.constant 3 : i32
      %add3A_300 = arith.addi %mul3A_298, %add3A_299 : i32
      %add3A_301 = arith.constant 4 : i32
      %add3A_302 = arith.addi %add3A_300, %add3A_301 : i32
      %mul3A_303 = arith.constant 32 : i32
      %mul3A_304 = arith.muli %add3A_302, %mul3A_303 : i32
      %add3A_305 = arith.addi %add3A, %mul3A_304 : i32
      %lt3A_306 = arith.constant 3125 : i32
      %lt3A_307 = arith.cmpi slt, %add3A_305, %lt3A_306 : i32
      %convert_element_type3A_308 = arith.extui %lt3A_307 : i1 to i32
      %cond3A_309 = arith.constant 0 : i32
      %cond3A_310 = arith.cmpi ne, %convert_element_type3A_308, %cond3A_309 : i32
      scf.if %cond3A_310 {
        %mul3A_534 = arith.constant 7 : i32
        %mul3A_535 = arith.muli %scan3A_80, %mul3A_534 : i32
        %add3A_536 = arith.constant 3 : i32
        %add3A_537 = arith.addi %mul3A_535, %add3A_536 : i32
        %add3A_538 = arith.constant 4 : i32
        %add3A_539 = arith.addi %add3A_537, %add3A_538 : i32
        %mul3A_540 = arith.constant 32 : i32
        %mul3A_541 = arith.muli %add3A_539, %mul3A_540 : i32
        %add3A_542 = arith.addi %add3A, %mul3A_541 : i32
        %dma_start3A = arith.constant 0 : i32
        %dma_start3A_543 = arith.constant 0 : i32
        %dma_start3A_544 = tpu.memref_slice %arg5[%dma_start3A, %dma_start3A_543] : memref<7x128xi32, #tpu.memory_space<vmem>> -> memref<1x128xi32, #tpu.memory_space<vmem>>
        %dma_start3A_545 = tpu.memref_squeeze %dma_start3A_544 : memref<1x128xi32, #tpu.memory_space<vmem>> -> memref<128xi32, #tpu.memory_space<vmem>>
        %dma_start3A_546 = arith.constant 0 : i32
        %dma_start3A_547 = tpu.memref_slice %arg3[%add3A_542, %dma_start3A_546] : memref<3125x128xi32, #tpu.memory_space<hbm>> -> memref<1x128xi32, #tpu.memory_space<hbm>>
        %dma_start3A_548 = tpu.memref_squeeze %dma_start3A_547 : memref<1x128xi32, #tpu.memory_space<hbm>> -> memref<128xi32, #tpu.memory_space<hbm>>
        %dma_start3A_549 = arith.constant 0 : i32
        %dma_start3A_550 = tpu.memref_slice %arg5[%dma_start3A, %dma_start3A_549] : memref<7x128xi32, #tpu.memory_space<vmem>> -> memref<1x128xi32, #tpu.memory_space<vmem>>
        %dma_start3A_551 = tpu.memref_squeeze %dma_start3A_550 : memref<1x128xi32, #tpu.memory_space<vmem>> -> memref<128xi32, #tpu.memory_space<vmem>>
        %dma_start3A_552 = arith.constant 0 : i32
        %dma_start3A_553 = tpu.memref_slice %arg3[%add3A_542, %dma_start3A_552] : memref<3125x128xi32, #tpu.memory_space<hbm>> -> memref<1x128xi32, #tpu.memory_space<hbm>>
        %dma_start3A_554 = tpu.memref_squeeze %dma_start3A_553 : memref<1x128xi32, #tpu.memory_space<hbm>> -> memref<128xi32, #tpu.memory_space<hbm>>
        tpu.enqueue_dma source(%dma_start3A_554 : memref<128xi32, #tpu.memory_space<hbm>>) target(%dma_start3A_551 : memref<128xi32, #tpu.memory_space<vmem>>) target_semaphore(%arg7 : memref<!tpu.dma_semaphore, #tpu.memory_space<semaphore_mem>>)
      } else {
      }
      %mul3A_311 = arith.constant 7 : i32
      %mul3A_312 = arith.muli %scan3A_80, %mul3A_311 : i32
      %add3A_313 = arith.constant 3 : i32
      %add3A_314 = arith.addi %mul3A_312, %add3A_313 : i32
      %add3A_315 = arith.constant 2 : i32
      %add3A_316 = arith.addi %add3A_314, %add3A_315 : i32
      %mul3A_317 = arith.constant 32 : i32
      %mul3A_318 = arith.muli %add3A_316, %mul3A_317 : i32
      %add3A_319 = arith.addi %add3A, %mul3A_318 : i32
      %lt3A_320 = arith.constant 3125 : i32
      %lt3A_321 = arith.cmpi slt, %add3A_319, %lt3A_320 : i32
      %convert_element_type3A_322 = arith.extui %lt3A_321 : i1 to i32
      %cond3A_323 = arith.constant 0 : i32
      %cond3A_324 = arith.cmpi ne, %convert_element_type3A_322, %cond3A_323 : i32
      scf.if %cond3A_324 {
        %dma_wait3A = arith.constant 0 : i32
        %dma_wait3A_534 = arith.constant 5 : i32
        %dma_wait3A_535 = arith.constant 0 : i32
        %dma_wait3A_536 = tpu.memref_slice %arg5[%dma_wait3A_534, %dma_wait3A_535] : memref<7x128xi32, #tpu.memory_space<vmem>> -> memref<1x128xi32, #tpu.memory_space<vmem>>
        %dma_wait3A_537 = tpu.memref_squeeze %dma_wait3A_536 : memref<1x128xi32, #tpu.memory_space<vmem>> -> memref<128xi32, #tpu.memory_space<vmem>>
        %dma_wait3A_538 = arith.constant 0 : i32
        %dma_wait3A_539 = tpu.memref_slice %arg3[%dma_wait3A, %dma_wait3A_538] : memref<3125x128xi32, #tpu.memory_space<hbm>> -> memref<1x128xi32, #tpu.memory_space<hbm>>
        %dma_wait3A_540 = tpu.memref_squeeze %dma_wait3A_539 : memref<1x128xi32, #tpu.memory_space<hbm>> -> memref<128xi32, #tpu.memory_space<hbm>>
        %dma_wait3A_541 = arith.constant 0 : i32
        %dma_wait3A_542 = tpu.memref_slice %arg5[%dma_wait3A_534, %dma_wait3A_541] : memref<7x128xi32, #tpu.memory_space<vmem>> -> memref<1x128xi32, #tpu.memory_space<vmem>>
        %dma_wait3A_543 = tpu.memref_squeeze %dma_wait3A_542 : memref<1x128xi32, #tpu.memory_space<vmem>> -> memref<128xi32, #tpu.memory_space<vmem>>
        %dma_wait3A_544 = arith.constant 0 : i32
        %dma_wait3A_545 = tpu.memref_slice %arg3[%dma_wait3A, %dma_wait3A_544] : memref<3125x128xi32, #tpu.memory_space<hbm>> -> memref<1x128xi32, #tpu.memory_space<hbm>>
        %dma_wait3A_546 = tpu.memref_squeeze %dma_wait3A_545 : memref<1x128xi32, #tpu.memory_space<hbm>> -> memref<128xi32, #tpu.memory_space<hbm>>
        tpu.wait_dma2 semaphore(%arg12 : memref<!tpu.dma_semaphore, #tpu.memory_space<semaphore_mem>>) src(%dma_wait3A_546 : memref<128xi32, #tpu.memory_space<hbm>>) dst(%dma_wait3A_543 : memref<128xi32, #tpu.memory_space<vmem>>)
        %dma_start3A = arith.constant 5 : i32
        %dma_start3A_547 = arith.constant 5 : i32
        %dma_start3A_548 = arith.constant 0 : i32
        %dma_start3A_549 = arith.constant 0 : i32
        %dma_start3A_550 = tpu.memref_slice %arg6[%dma_start3A_547, %dma_start3A_548, %dma_start3A_549] : memref<7x128x128xf32, #tpu.memory_space<vmem>> -> memref<1x128x128xf32, #tpu.memory_space<vmem>>
        %dma_start3A_551 = tpu.memref_squeeze %dma_start3A_550 : memref<1x128x128xf32, #tpu.memory_space<vmem>> -> memref<128x128xf32, #tpu.memory_space<vmem>>
        %dma_start3A_552 = arith.constant 0 : i32
        %dma_start3A_553 = tpu.memref_slice %arg5[%dma_start3A, %dma_start3A_552] : memref<7x128xi32, #tpu.memory_space<vmem>> -> memref<1x128xi32, #tpu.memory_space<vmem>>
        %dma_start3A_554 = tpu.memref_squeeze %dma_start3A_553 : memref<1x128xi32, #tpu.memory_space<vmem>> -> memref<128xi32, #tpu.memory_space<vmem>>
        %dma_start3A_555 = arith.constant 0 : i32
        %dma_start3A_556 = arith.constant 0 : i32
        %dma_start3A_557 = tpu.memref_slice %arg2[%dma_start3A_555, %dma_start3A_556] : memref<100001x128xf32, #tpu.memory_space<hbm>> -> memref<100001x128xf32, #tpu.memory_space<hbm>>
        tpu.enqueue_indirect_dma source(%dma_start3A_557 : memref<100001x128xf32, #tpu.memory_space<hbm>>) target(%dma_start3A_551 : memref<128x128xf32, #tpu.memory_space<vmem>>) offsets(%dma_start3A_554 : memref<128xi32, #tpu.memory_space<vmem>>) semaphore(%arg19 : memref<!tpu.dma_semaphore, #tpu.memory_space<semaphore_mem>>)
      } else {
      }
      %mul3A_325 = arith.constant 7 : i32
      %mul3A_326 = arith.muli %scan3A_80, %mul3A_325 : i32
      %add3A_327 = arith.constant 3 : i32
      %add3A_328 = arith.addi %mul3A_326, %add3A_327 : i32
      %add3A_329 = arith.constant 0 : i32
      %add3A_330 = arith.addi %add3A_328, %add3A_329 : i32
      %mul3A_331 = arith.constant 32 : i32
      %mul3A_332 = arith.muli %add3A_330, %mul3A_331 : i32
      %add3A_333 = arith.addi %add3A, %mul3A_332 : i32
      %lt3A_334 = arith.constant 3125 : i32
      %lt3A_335 = arith.cmpi slt, %add3A_333, %lt3A_334 : i32
      %convert_element_type3A_336 = arith.extui %lt3A_335 : i1 to i32
      %cond3A_337 = arith.constant 0 : i32
      %cond3A_338 = arith.cmpi ne, %convert_element_type3A_336, %cond3A_337 : i32
      scf.if %cond3A_338 {
        %dma_wait3A = arith.constant 3 : i32
        %dma_wait3A_534 = arith.constant 0 : i32
        %dma_wait3A_535 = arith.constant 0 : i32
        %dma_wait3A_536 = tpu.memref_slice %arg6[%dma_wait3A, %dma_wait3A_534, %dma_wait3A_535] : memref<7x128x128xf32, #tpu.memory_space<vmem>> -> memref<1x128x128xf32, #tpu.memory_space<vmem>>
        %dma_wait3A_537 = tpu.memref_squeeze %dma_wait3A_536 : memref<1x128x128xf32, #tpu.memory_space<vmem>> -> memref<128x128xf32, #tpu.memory_space<vmem>>
        %dma_wait3A_538 = arith.constant 0 : i32
        %dma_wait3A_539 = arith.constant 0 : i32
        %dma_wait3A_540 = tpu.memref_slice %arg2[%dma_wait3A_538, %dma_wait3A_539] : memref<100001x128xf32, #tpu.memory_space<hbm>> -> memref<128x128xf32, #tpu.memory_space<hbm>>
        %dma_wait3A_541 = arith.constant 0 : i32
        %dma_wait3A_542 = arith.constant 0 : i32
        %dma_wait3A_543 = tpu.memref_slice %arg6[%dma_wait3A, %dma_wait3A_541, %dma_wait3A_542] : memref<7x128x128xf32, #tpu.memory_space<vmem>> -> memref<1x128x128xf32, #tpu.memory_space<vmem>>
        %dma_wait3A_544 = tpu.memref_squeeze %dma_wait3A_543 : memref<1x128x128xf32, #tpu.memory_space<vmem>> -> memref<128x128xf32, #tpu.memory_space<vmem>>
        %dma_wait3A_545 = arith.constant 0 : i32
        %dma_wait3A_546 = arith.constant 0 : i32
        %dma_wait3A_547 = tpu.memref_slice %arg2[%dma_wait3A_545, %dma_wait3A_546] : memref<100001x128xf32, #tpu.memory_space<hbm>> -> memref<128x128xf32, #tpu.memory_space<hbm>>
        tpu.wait_dma2 semaphore(%arg17 : memref<!tpu.dma_semaphore, #tpu.memory_space<semaphore_mem>>) src(%dma_wait3A_547 : memref<128x128xf32, #tpu.memory_space<hbm>>) dst(%dma_wait3A_544 : memref<128x128xf32, #tpu.memory_space<vmem>>)
        %mul3A_548 = arith.constant 7 : i32
        %mul3A_549 = arith.muli %scan3A_80, %mul3A_548 : i32
        %add3A_550 = arith.constant 3 : i32
        %add3A_551 = arith.addi %mul3A_549, %add3A_550 : i32
        %add3A_552 = arith.constant 0 : i32
        %add3A_553 = arith.addi %add3A_551, %add3A_552 : i32
        %mul3A_554 = arith.constant 32 : i32
        %mul3A_555 = arith.muli %add3A_553, %mul3A_554 : i32
        %add3A_556 = arith.addi %add3A, %mul3A_555 : i32
        %mul3A_557 = arith.constant 128 : i32
        %mul3A_558 = arith.muli %add3A_556, %mul3A_557 : i32
        %dma_start3A = arith.constant 3 : i32
        %dma_start3A_559 = arith.constant 0 : i32
        %dma_start3A_560 = arith.constant 0 : i32
        %dma_start3A_561 = tpu.memref_slice %arg6[%dma_start3A, %dma_start3A_559, %dma_start3A_560] : memref<7x128x128xf32, #tpu.memory_space<vmem>> -> memref<1x128x128xf32, #tpu.memory_space<vmem>>
        %dma_start3A_562 = tpu.memref_squeeze %dma_start3A_561 : memref<1x128x128xf32, #tpu.memory_space<vmem>> -> memref<128x128xf32, #tpu.memory_space<vmem>>
        %dma_start3A_563 = arith.constant 0 : i32
        %dma_start3A_564 = tpu.memref_slice %arg4[%mul3A_558, %dma_start3A_563] : memref<400000x128xf32, #tpu.memory_space<hbm>> -> memref<128x128xf32, #tpu.memory_space<hbm>>
        %dma_start3A_565 = arith.constant 0 : i32
        %dma_start3A_566 = tpu.memref_slice %arg4[%mul3A_558, %dma_start3A_565] : memref<400000x128xf32, #tpu.memory_space<hbm>> -> memref<128x128xf32, #tpu.memory_space<hbm>>
        %dma_start3A_567 = arith.constant 0 : i32
        %dma_start3A_568 = arith.constant 0 : i32
        %dma_start3A_569 = tpu.memref_slice %arg6[%dma_start3A, %dma_start3A_567, %dma_start3A_568] : memref<7x128x128xf32, #tpu.memory_space<vmem>> -> memref<1x128x128xf32, #tpu.memory_space<vmem>>
        %dma_start3A_570 = tpu.memref_squeeze %dma_start3A_569 : memref<1x128x128xf32, #tpu.memory_space<vmem>> -> memref<128x128xf32, #tpu.memory_space<vmem>>
        tpu.enqueue_dma source(%dma_start3A_570 : memref<128x128xf32, #tpu.memory_space<vmem>>) target(%dma_start3A_566 : memref<128x128xf32, #tpu.memory_space<hbm>>) target_semaphore(%arg24 : memref<!tpu.dma_semaphore, #tpu.memory_space<semaphore_mem>>)
      } else {
      }
      %mul3A_339 = arith.constant 7 : i32
      %mul3A_340 = arith.muli %scan3A_80, %mul3A_339 : i32
      %add3A_341 = arith.constant 4 : i32
      %add3A_342 = arith.addi %mul3A_340, %add3A_341 : i32
      %add3A_343 = arith.constant -5 : i32
      %add3A_344 = arith.addi %add3A_342, %add3A_343 : i32
      %mul3A_345 = arith.constant 32 : i32
      %mul3A_346 = arith.muli %add3A_344, %mul3A_345 : i32
      %add3A_347 = arith.addi %add3A, %mul3A_346 : i32
      %lt3A_348 = arith.constant 3125 : i32
      %lt3A_349 = arith.cmpi slt, %add3A_347, %lt3A_348 : i32
      %mul3A_350 = arith.constant 7 : i32
      %mul3A_351 = arith.muli %scan3A_80, %mul3A_350 : i32
      %add3A_352 = arith.constant 4 : i32
      %add3A_353 = arith.addi %mul3A_351, %add3A_352 : i32
      %add3A_354 = arith.constant 0 : i32
      %add3A_355 = arith.addi %add3A_353, %add3A_354 : i32
      %ge3A_356 = arith.constant 5 : i32
      %ge3A_357 = arith.cmpi sge, %add3A_355, %ge3A_356 : i32
      %and3A_358 = arith.andi %lt3A_349, %ge3A_357 : i1
      %convert_element_type3A_359 = arith.extui %and3A_358 : i1 to i32
      %cond3A_360 = arith.constant 0 : i32
      %cond3A_361 = arith.cmpi ne, %convert_element_type3A_359, %cond3A_360 : i32
      scf.if %cond3A_361 {
        %dma_wait3A = arith.constant 6 : i32
        %dma_wait3A_534 = arith.constant 0 : i32
        %dma_wait3A_535 = arith.constant 0 : i32
        %dma_wait3A_536 = tpu.memref_slice %arg6[%dma_wait3A, %dma_wait3A_534, %dma_wait3A_535] : memref<7x128x128xf32, #tpu.memory_space<vmem>> -> memref<1x128x128xf32, #tpu.memory_space<vmem>>
        %dma_wait3A_537 = tpu.memref_squeeze %dma_wait3A_536 : memref<1x128x128xf32, #tpu.memory_space<vmem>> -> memref<128x128xf32, #tpu.memory_space<vmem>>
        %dma_wait3A_538 = arith.constant 0 : i32
        %dma_wait3A_539 = arith.constant 0 : i32
        %dma_wait3A_540 = tpu.memref_slice %arg4[%dma_wait3A_538, %dma_wait3A_539] : memref<400000x128xf32, #tpu.memory_space<hbm>> -> memref<128x128xf32, #tpu.memory_space<hbm>>
        %dma_wait3A_541 = arith.constant 0 : i32
        %dma_wait3A_542 = arith.constant 0 : i32
        %dma_wait3A_543 = tpu.memref_slice %arg4[%dma_wait3A_541, %dma_wait3A_542] : memref<400000x128xf32, #tpu.memory_space<hbm>> -> memref<128x128xf32, #tpu.memory_space<hbm>>
        %dma_wait3A_544 = arith.constant 0 : i32
        %dma_wait3A_545 = arith.constant 0 : i32
        %dma_wait3A_546 = tpu.memref_slice %arg6[%dma_wait3A, %dma_wait3A_544, %dma_wait3A_545] : memref<7x128x128xf32, #tpu.memory_space<vmem>> -> memref<1x128x128xf32, #tpu.memory_space<vmem>>
        %dma_wait3A_547 = tpu.memref_squeeze %dma_wait3A_546 : memref<1x128x128xf32, #tpu.memory_space<vmem>> -> memref<128x128xf32, #tpu.memory_space<vmem>>
        tpu.wait_dma2 semaphore(%arg27 : memref<!tpu.dma_semaphore, #tpu.memory_space<semaphore_mem>>) src(%dma_wait3A_547 : memref<128x128xf32, #tpu.memory_space<vmem>>) dst(%dma_wait3A_543 : memref<128x128xf32, #tpu.memory_space<hbm>>)
      } else {
      }
      %mul3A_362 = arith.constant 7 : i32
      %mul3A_363 = arith.muli %scan3A_80, %mul3A_362 : i32
      %add3A_364 = arith.constant 4 : i32
      %add3A_365 = arith.addi %mul3A_363, %add3A_364 : i32
      %add3A_366 = arith.constant 4 : i32
      %add3A_367 = arith.addi %add3A_365, %add3A_366 : i32
      %mul3A_368 = arith.constant 32 : i32
      %mul3A_369 = arith.muli %add3A_367, %mul3A_368 : i32
      %add3A_370 = arith.addi %add3A, %mul3A_369 : i32
      %lt3A_371 = arith.constant 3125 : i32
      %lt3A_372 = arith.cmpi slt, %add3A_370, %lt3A_371 : i32
      %convert_element_type3A_373 = arith.extui %lt3A_372 : i1 to i32
      %cond3A_374 = arith.constant 0 : i32
      %cond3A_375 = arith.cmpi ne, %convert_element_type3A_373, %cond3A_374 : i32
      scf.if %cond3A_375 {
        %mul3A_534 = arith.constant 7 : i32
        %mul3A_535 = arith.muli %scan3A_80, %mul3A_534 : i32
        %add3A_536 = arith.constant 4 : i32
        %add3A_537 = arith.addi %mul3A_535, %add3A_536 : i32
        %add3A_538 = arith.constant 4 : i32
        %add3A_539 = arith.addi %add3A_537, %add3A_538 : i32
        %mul3A_540 = arith.constant 32 : i32
        %mul3A_541 = arith.muli %add3A_539, %mul3A_540 : i32
        %add3A_542 = arith.addi %add3A, %mul3A_541 : i32
        %dma_start3A = arith.constant 1 : i32
        %dma_start3A_543 = arith.constant 0 : i32
        %dma_start3A_544 = tpu.memref_slice %arg5[%dma_start3A, %dma_start3A_543] : memref<7x128xi32, #tpu.memory_space<vmem>> -> memref<1x128xi32, #tpu.memory_space<vmem>>
        %dma_start3A_545 = tpu.memref_squeeze %dma_start3A_544 : memref<1x128xi32, #tpu.memory_space<vmem>> -> memref<128xi32, #tpu.memory_space<vmem>>
        %dma_start3A_546 = arith.constant 0 : i32
        %dma_start3A_547 = tpu.memref_slice %arg3[%add3A_542, %dma_start3A_546] : memref<3125x128xi32, #tpu.memory_space<hbm>> -> memref<1x128xi32, #tpu.memory_space<hbm>>
        %dma_start3A_548 = tpu.memref_squeeze %dma_start3A_547 : memref<1x128xi32, #tpu.memory_space<hbm>> -> memref<128xi32, #tpu.memory_space<hbm>>
        %dma_start3A_549 = arith.constant 0 : i32
        %dma_start3A_550 = tpu.memref_slice %arg5[%dma_start3A, %dma_start3A_549] : memref<7x128xi32, #tpu.memory_space<vmem>> -> memref<1x128xi32, #tpu.memory_space<vmem>>
        %dma_start3A_551 = tpu.memref_squeeze %dma_start3A_550 : memref<1x128xi32, #tpu.memory_space<vmem>> -> memref<128xi32, #tpu.memory_space<vmem>>
        %dma_start3A_552 = arith.constant 0 : i32
        %dma_start3A_553 = tpu.memref_slice %arg3[%add3A_542, %dma_start3A_552] : memref<3125x128xi32, #tpu.memory_space<hbm>> -> memref<1x128xi32, #tpu.memory_space<hbm>>
        %dma_start3A_554 = tpu.memref_squeeze %dma_start3A_553 : memref<1x128xi32, #tpu.memory_space<hbm>> -> memref<128xi32, #tpu.memory_space<hbm>>
        tpu.enqueue_dma source(%dma_start3A_554 : memref<128xi32, #tpu.memory_space<hbm>>) target(%dma_start3A_551 : memref<128xi32, #tpu.memory_space<vmem>>) target_semaphore(%arg8 : memref<!tpu.dma_semaphore, #tpu.memory_space<semaphore_mem>>)
      } else {
      }
      %mul3A_376 = arith.constant 7 : i32
      %mul3A_377 = arith.muli %scan3A_80, %mul3A_376 : i32
      %add3A_378 = arith.constant 4 : i32
      %add3A_379 = arith.addi %mul3A_377, %add3A_378 : i32
      %add3A_380 = arith.constant 2 : i32
      %add3A_381 = arith.addi %add3A_379, %add3A_380 : i32
      %mul3A_382 = arith.constant 32 : i32
      %mul3A_383 = arith.muli %add3A_381, %mul3A_382 : i32
      %add3A_384 = arith.addi %add3A, %mul3A_383 : i32
      %lt3A_385 = arith.constant 3125 : i32
      %lt3A_386 = arith.cmpi slt, %add3A_384, %lt3A_385 : i32
      %convert_element_type3A_387 = arith.extui %lt3A_386 : i1 to i32
      %cond3A_388 = arith.constant 0 : i32
      %cond3A_389 = arith.cmpi ne, %convert_element_type3A_387, %cond3A_388 : i32
      scf.if %cond3A_389 {
        %dma_wait3A = arith.constant 0 : i32
        %dma_wait3A_534 = arith.constant 6 : i32
        %dma_wait3A_535 = arith.constant 0 : i32
        %dma_wait3A_536 = tpu.memref_slice %arg5[%dma_wait3A_534, %dma_wait3A_535] : memref<7x128xi32, #tpu.memory_space<vmem>> -> memref<1x128xi32, #tpu.memory_space<vmem>>
        %dma_wait3A_537 = tpu.memref_squeeze %dma_wait3A_536 : memref<1x128xi32, #tpu.memory_space<vmem>> -> memref<128xi32, #tpu.memory_space<vmem>>
        %dma_wait3A_538 = arith.constant 0 : i32
        %dma_wait3A_539 = tpu.memref_slice %arg3[%dma_wait3A, %dma_wait3A_538] : memref<3125x128xi32, #tpu.memory_space<hbm>> -> memref<1x128xi32, #tpu.memory_space<hbm>>
        %dma_wait3A_540 = tpu.memref_squeeze %dma_wait3A_539 : memref<1x128xi32, #tpu.memory_space<hbm>> -> memref<128xi32, #tpu.memory_space<hbm>>
        %dma_wait3A_541 = arith.constant 0 : i32
        %dma_wait3A_542 = tpu.memref_slice %arg5[%dma_wait3A_534, %dma_wait3A_541] : memref<7x128xi32, #tpu.memory_space<vmem>> -> memref<1x128xi32, #tpu.memory_space<vmem>>
        %dma_wait3A_543 = tpu.memref_squeeze %dma_wait3A_542 : memref<1x128xi32, #tpu.memory_space<vmem>> -> memref<128xi32, #tpu.memory_space<vmem>>
        %dma_wait3A_544 = arith.constant 0 : i32
        %dma_wait3A_545 = tpu.memref_slice %arg3[%dma_wait3A, %dma_wait3A_544] : memref<3125x128xi32, #tpu.memory_space<hbm>> -> memref<1x128xi32, #tpu.memory_space<hbm>>
        %dma_wait3A_546 = tpu.memref_squeeze %dma_wait3A_545 : memref<1x128xi32, #tpu.memory_space<hbm>> -> memref<128xi32, #tpu.memory_space<hbm>>
        tpu.wait_dma2 semaphore(%arg13 : memref<!tpu.dma_semaphore, #tpu.memory_space<semaphore_mem>>) src(%dma_wait3A_546 : memref<128xi32, #tpu.memory_space<hbm>>) dst(%dma_wait3A_543 : memref<128xi32, #tpu.memory_space<vmem>>)
        %dma_start3A = arith.constant 6 : i32
        %dma_start3A_547 = arith.constant 6 : i32
        %dma_start3A_548 = arith.constant 0 : i32
        %dma_start3A_549 = arith.constant 0 : i32
        %dma_start3A_550 = tpu.memref_slice %arg6[%dma_start3A_547, %dma_start3A_548, %dma_start3A_549] : memref<7x128x128xf32, #tpu.memory_space<vmem>> -> memref<1x128x128xf32, #tpu.memory_space<vmem>>
        %dma_start3A_551 = tpu.memref_squeeze %dma_start3A_550 : memref<1x128x128xf32, #tpu.memory_space<vmem>> -> memref<128x128xf32, #tpu.memory_space<vmem>>
        %dma_start3A_552 = arith.constant 0 : i32
        %dma_start3A_553 = tpu.memref_slice %arg5[%dma_start3A, %dma_start3A_552] : memref<7x128xi32, #tpu.memory_space<vmem>> -> memref<1x128xi32, #tpu.memory_space<vmem>>
        %dma_start3A_554 = tpu.memref_squeeze %dma_start3A_553 : memref<1x128xi32, #tpu.memory_space<vmem>> -> memref<128xi32, #tpu.memory_space<vmem>>
        %dma_start3A_555 = arith.constant 0 : i32
        %dma_start3A_556 = arith.constant 0 : i32
        %dma_start3A_557 = tpu.memref_slice %arg2[%dma_start3A_555, %dma_start3A_556] : memref<100001x128xf32, #tpu.memory_space<hbm>> -> memref<100001x128xf32, #tpu.memory_space<hbm>>
        tpu.enqueue_indirect_dma source(%dma_start3A_557 : memref<100001x128xf32, #tpu.memory_space<hbm>>) target(%dma_start3A_551 : memref<128x128xf32, #tpu.memory_space<vmem>>) offsets(%dma_start3A_554 : memref<128xi32, #tpu.memory_space<vmem>>) semaphore(%arg20 : memref<!tpu.dma_semaphore, #tpu.memory_space<semaphore_mem>>)
      } else {
      }
      %mul3A_390 = arith.constant 7 : i32
      %mul3A_391 = arith.muli %scan3A_80, %mul3A_390 : i32
      %add3A_392 = arith.constant 4 : i32
      %add3A_393 = arith.addi %mul3A_391, %add3A_392 : i32
      %add3A_394 = arith.constant 0 : i32
      %add3A_395 = arith.addi %add3A_393, %add3A_394 : i32
      %mul3A_396 = arith.constant 32 : i32
      %mul3A_397 = arith.muli %add3A_395, %mul3A_396 : i32
      %add3A_398 = arith.addi %add3A, %mul3A_397 : i32
      %lt3A_399 = arith.constant 3125 : i32
      %lt3A_400 = arith.cmpi slt, %add3A_398, %lt3A_399 : i32
      %convert_element_type3A_401 = arith.extui %lt3A_400 : i1 to i32
      %cond3A_402 = arith.constant 0 : i32
      %cond3A_403 = arith.cmpi ne, %convert_element_type3A_401, %cond3A_402 : i32
      scf.if %cond3A_403 {
        %dma_wait3A = arith.constant 4 : i32
        %dma_wait3A_534 = arith.constant 0 : i32
        %dma_wait3A_535 = arith.constant 0 : i32
        %dma_wait3A_536 = tpu.memref_slice %arg6[%dma_wait3A, %dma_wait3A_534, %dma_wait3A_535] : memref<7x128x128xf32, #tpu.memory_space<vmem>> -> memref<1x128x128xf32, #tpu.memory_space<vmem>>
        %dma_wait3A_537 = tpu.memref_squeeze %dma_wait3A_536 : memref<1x128x128xf32, #tpu.memory_space<vmem>> -> memref<128x128xf32, #tpu.memory_space<vmem>>
        %dma_wait3A_538 = arith.constant 0 : i32
        %dma_wait3A_539 = arith.constant 0 : i32
        %dma_wait3A_540 = tpu.memref_slice %arg2[%dma_wait3A_538, %dma_wait3A_539] : memref<100001x128xf32, #tpu.memory_space<hbm>> -> memref<128x128xf32, #tpu.memory_space<hbm>>
        %dma_wait3A_541 = arith.constant 0 : i32
        %dma_wait3A_542 = arith.constant 0 : i32
        %dma_wait3A_543 = tpu.memref_slice %arg6[%dma_wait3A, %dma_wait3A_541, %dma_wait3A_542] : memref<7x128x128xf32, #tpu.memory_space<vmem>> -> memref<1x128x128xf32, #tpu.memory_space<vmem>>
        %dma_wait3A_544 = tpu.memref_squeeze %dma_wait3A_543 : memref<1x128x128xf32, #tpu.memory_space<vmem>> -> memref<128x128xf32, #tpu.memory_space<vmem>>
        %dma_wait3A_545 = arith.constant 0 : i32
        %dma_wait3A_546 = arith.constant 0 : i32
        %dma_wait3A_547 = tpu.memref_slice %arg2[%dma_wait3A_545, %dma_wait3A_546] : memref<100001x128xf32, #tpu.memory_space<hbm>> -> memref<128x128xf32, #tpu.memory_space<hbm>>
        tpu.wait_dma2 semaphore(%arg18 : memref<!tpu.dma_semaphore, #tpu.memory_space<semaphore_mem>>) src(%dma_wait3A_547 : memref<128x128xf32, #tpu.memory_space<hbm>>) dst(%dma_wait3A_544 : memref<128x128xf32, #tpu.memory_space<vmem>>)
        %mul3A_548 = arith.constant 7 : i32
        %mul3A_549 = arith.muli %scan3A_80, %mul3A_548 : i32
        %add3A_550 = arith.constant 4 : i32
        %add3A_551 = arith.addi %mul3A_549, %add3A_550 : i32
        %add3A_552 = arith.constant 0 : i32
        %add3A_553 = arith.addi %add3A_551, %add3A_552 : i32
        %mul3A_554 = arith.constant 32 : i32
        %mul3A_555 = arith.muli %add3A_553, %mul3A_554 : i32
        %add3A_556 = arith.addi %add3A, %mul3A_555 : i32
        %mul3A_557 = arith.constant 128 : i32
        %mul3A_558 = arith.muli %add3A_556, %mul3A_557 : i32
        %dma_start3A = arith.constant 4 : i32
        %dma_start3A_559 = arith.constant 0 : i32
        %dma_start3A_560 = arith.constant 0 : i32
        %dma_start3A_561 = tpu.memref_slice %arg6[%dma_start3A, %dma_start3A_559, %dma_start3A_560] : memref<7x128x128xf32, #tpu.memory_space<vmem>> -> memref<1x128x128xf32, #tpu.memory_space<vmem>>
        %dma_start3A_562 = tpu.memref_squeeze %dma_start3A_561 : memref<1x128x128xf32, #tpu.memory_space<vmem>> -> memref<128x128xf32, #tpu.memory_space<vmem>>
        %dma_start3A_563 = arith.constant 0 : i32
        %dma_start3A_564 = tpu.memref_slice %arg4[%mul3A_558, %dma_start3A_563] : memref<400000x128xf32, #tpu.memory_space<hbm>> -> memref<128x128xf32, #tpu.memory_space<hbm>>
        %dma_start3A_565 = arith.constant 0 : i32
        %dma_start3A_566 = tpu.memref_slice %arg4[%mul3A_558, %dma_start3A_565] : memref<400000x128xf32, #tpu.memory_space<hbm>> -> memref<128x128xf32, #tpu.memory_space<hbm>>
        %dma_start3A_567 = arith.constant 0 : i32
        %dma_start3A_568 = arith.constant 0 : i32
        %dma_start3A_569 = tpu.memref_slice %arg6[%dma_start3A, %dma_start3A_567, %dma_start3A_568] : memref<7x128x128xf32, #tpu.memory_space<vmem>> -> memref<1x128x128xf32, #tpu.memory_space<vmem>>
        %dma_start3A_570 = tpu.memref_squeeze %dma_start3A_569 : memref<1x128x128xf32, #tpu.memory_space<vmem>> -> memref<128x128xf32, #tpu.memory_space<vmem>>
        tpu.enqueue_dma source(%dma_start3A_570 : memref<128x128xf32, #tpu.memory_space<vmem>>) target(%dma_start3A_566 : memref<128x128xf32, #tpu.memory_space<hbm>>) target_semaphore(%arg25 : memref<!tpu.dma_semaphore, #tpu.memory_space<semaphore_mem>>)
      } else {
      }
      %mul3A_404 = arith.constant 7 : i32
      %mul3A_405 = arith.muli %scan3A_80, %mul3A_404 : i32
      %add3A_406 = arith.constant 5 : i32
      %add3A_407 = arith.addi %mul3A_405, %add3A_406 : i32
      %add3A_408 = arith.constant -5 : i32
      %add3A_409 = arith.addi %add3A_407, %add3A_408 : i32
      %mul3A_410 = arith.constant 32 : i32
      %mul3A_411 = arith.muli %add3A_409, %mul3A_410 : i32
      %add3A_412 = arith.addi %add3A, %mul3A_411 : i32
      %lt3A_413 = arith.constant 3125 : i32
      %lt3A_414 = arith.cmpi slt, %add3A_412, %lt3A_413 : i32
      %mul3A_415 = arith.constant 7 : i32
      %mul3A_416 = arith.muli %scan3A_80, %mul3A_415 : i32
      %add3A_417 = arith.constant 5 : i32
      %add3A_418 = arith.addi %mul3A_416, %add3A_417 : i32
      %add3A_419 = arith.constant 0 : i32
      %add3A_420 = arith.addi %add3A_418, %add3A_419 : i32
      %ge3A_421 = arith.constant 5 : i32
      %ge3A_422 = arith.cmpi sge, %add3A_420, %ge3A_421 : i32
      %and3A_423 = arith.andi %lt3A_414, %ge3A_422 : i1
      %convert_element_type3A_424 = arith.extui %and3A_423 : i1 to i32
      %cond3A_425 = arith.constant 0 : i32
      %cond3A_426 = arith.cmpi ne, %convert_element_type3A_424, %cond3A_425 : i32
      scf.if %cond3A_426 {
        %dma_wait3A = arith.constant 0 : i32
        %dma_wait3A_534 = arith.constant 0 : i32
        %dma_wait3A_535 = arith.constant 0 : i32
        %dma_wait3A_536 = tpu.memref_slice %arg6[%dma_wait3A, %dma_wait3A_534, %dma_wait3A_535] : memref<7x128x128xf32, #tpu.memory_space<vmem>> -> memref<1x128x128xf32, #tpu.memory_space<vmem>>
        %dma_wait3A_537 = tpu.memref_squeeze %dma_wait3A_536 : memref<1x128x128xf32, #tpu.memory_space<vmem>> -> memref<128x128xf32, #tpu.memory_space<vmem>>
        %dma_wait3A_538 = arith.constant 0 : i32
        %dma_wait3A_539 = arith.constant 0 : i32
        %dma_wait3A_540 = tpu.memref_slice %arg4[%dma_wait3A_538, %dma_wait3A_539] : memref<400000x128xf32, #tpu.memory_space<hbm>> -> memref<128x128xf32, #tpu.memory_space<hbm>>
        %dma_wait3A_541 = arith.constant 0 : i32
        %dma_wait3A_542 = arith.constant 0 : i32
        %dma_wait3A_543 = tpu.memref_slice %arg4[%dma_wait3A_541, %dma_wait3A_542] : memref<400000x128xf32, #tpu.memory_space<hbm>> -> memref<128x128xf32, #tpu.memory_space<hbm>>
        %dma_wait3A_544 = arith.constant 0 : i32
        %dma_wait3A_545 = arith.constant 0 : i32
        %dma_wait3A_546 = tpu.memref_slice %arg6[%dma_wait3A, %dma_wait3A_544, %dma_wait3A_545] : memref<7x128x128xf32, #tpu.memory_space<vmem>> -> memref<1x128x128xf32, #tpu.memory_space<vmem>>
        %dma_wait3A_547 = tpu.memref_squeeze %dma_wait3A_546 : memref<1x128x128xf32, #tpu.memory_space<vmem>> -> memref<128x128xf32, #tpu.memory_space<vmem>>
        tpu.wait_dma2 semaphore(%arg21 : memref<!tpu.dma_semaphore, #tpu.memory_space<semaphore_mem>>) src(%dma_wait3A_547 : memref<128x128xf32, #tpu.memory_space<vmem>>) dst(%dma_wait3A_543 : memref<128x128xf32, #tpu.memory_space<hbm>>)
      } else {
      }
      %mul3A_427 = arith.constant 7 : i32
      %mul3A_428 = arith.muli %scan3A_80, %mul3A_427 : i32
      %add3A_429 = arith.constant 5 : i32
      %add3A_430 = arith.addi %mul3A_428, %add3A_429 : i32
      %add3A_431 = arith.constant 4 : i32
      %add3A_432 = arith.addi %add3A_430, %add3A_431 : i32
      %mul3A_433 = arith.constant 32 : i32
      %mul3A_434 = arith.muli %add3A_432, %mul3A_433 : i32
      %add3A_435 = arith.addi %add3A, %mul3A_434 : i32
      %lt3A_436 = arith.constant 3125 : i32
      %lt3A_437 = arith.cmpi slt, %add3A_435, %lt3A_436 : i32
      %convert_element_type3A_438 = arith.extui %lt3A_437 : i1 to i32
      %cond3A_439 = arith.constant 0 : i32
      %cond3A_440 = arith.cmpi ne, %convert_element_type3A_438, %cond3A_439 : i32
      scf.if %cond3A_440 {
        %mul3A_534 = arith.constant 7 : i32
        %mul3A_535 = arith.muli %scan3A_80, %mul3A_534 : i32
        %add3A_536 = arith.constant 5 : i32
        %add3A_537 = arith.addi %mul3A_535, %add3A_536 : i32
        %add3A_538 = arith.constant 4 : i32
        %add3A_539 = arith.addi %add3A_537, %add3A_538 : i32
        %mul3A_540 = arith.constant 32 : i32
        %mul3A_541 = arith.muli %add3A_539, %mul3A_540 : i32
        %add3A_542 = arith.addi %add3A, %mul3A_541 : i32
        %dma_start3A = arith.constant 2 : i32
        %dma_start3A_543 = arith.constant 0 : i32
        %dma_start3A_544 = tpu.memref_slice %arg5[%dma_start3A, %dma_start3A_543] : memref<7x128xi32, #tpu.memory_space<vmem>> -> memref<1x128xi32, #tpu.memory_space<vmem>>
        %dma_start3A_545 = tpu.memref_squeeze %dma_start3A_544 : memref<1x128xi32, #tpu.memory_space<vmem>> -> memref<128xi32, #tpu.memory_space<vmem>>
        %dma_start3A_546 = arith.constant 0 : i32
        %dma_start3A_547 = tpu.memref_slice %arg3[%add3A_542, %dma_start3A_546] : memref<3125x128xi32, #tpu.memory_space<hbm>> -> memref<1x128xi32, #tpu.memory_space<hbm>>
        %dma_start3A_548 = tpu.memref_squeeze %dma_start3A_547 : memref<1x128xi32, #tpu.memory_space<hbm>> -> memref<128xi32, #tpu.memory_space<hbm>>
        %dma_start3A_549 = arith.constant 0 : i32
        %dma_start3A_550 = tpu.memref_slice %arg5[%dma_start3A, %dma_start3A_549] : memref<7x128xi32, #tpu.memory_space<vmem>> -> memref<1x128xi32, #tpu.memory_space<vmem>>
        %dma_start3A_551 = tpu.memref_squeeze %dma_start3A_550 : memref<1x128xi32, #tpu.memory_space<vmem>> -> memref<128xi32, #tpu.memory_space<vmem>>
        %dma_start3A_552 = arith.constant 0 : i32
        %dma_start3A_553 = tpu.memref_slice %arg3[%add3A_542, %dma_start3A_552] : memref<3125x128xi32, #tpu.memory_space<hbm>> -> memref<1x128xi32, #tpu.memory_space<hbm>>
        %dma_start3A_554 = tpu.memref_squeeze %dma_start3A_553 : memref<1x128xi32, #tpu.memory_space<hbm>> -> memref<128xi32, #tpu.memory_space<hbm>>
        tpu.enqueue_dma source(%dma_start3A_554 : memref<128xi32, #tpu.memory_space<hbm>>) target(%dma_start3A_551 : memref<128xi32, #tpu.memory_space<vmem>>) target_semaphore(%arg9 : memref<!tpu.dma_semaphore, #tpu.memory_space<semaphore_mem>>)
      } else {
      }
      %mul3A_441 = arith.constant 7 : i32
      %mul3A_442 = arith.muli %scan3A_80, %mul3A_441 : i32
      %add3A_443 = arith.constant 5 : i32
      %add3A_444 = arith.addi %mul3A_442, %add3A_443 : i32
      %add3A_445 = arith.constant 2 : i32
      %add3A_446 = arith.addi %add3A_444, %add3A_445 : i32
      %mul3A_447 = arith.constant 32 : i32
      %mul3A_448 = arith.muli %add3A_446, %mul3A_447 : i32
      %add3A_449 = arith.addi %add3A, %mul3A_448 : i32
      %lt3A_450 = arith.constant 3125 : i32
      %lt3A_451 = arith.cmpi slt, %add3A_449, %lt3A_450 : i32
      %convert_element_type3A_452 = arith.extui %lt3A_451 : i1 to i32
      %cond3A_453 = arith.constant 0 : i32
      %cond3A_454 = arith.cmpi ne, %convert_element_type3A_452, %cond3A_453 : i32
      scf.if %cond3A_454 {
        %dma_wait3A = arith.constant 0 : i32
        %dma_wait3A_534 = arith.constant 0 : i32
        %dma_wait3A_535 = arith.constant 0 : i32
        %dma_wait3A_536 = tpu.memref_slice %arg5[%dma_wait3A_534, %dma_wait3A_535] : memref<7x128xi32, #tpu.memory_space<vmem>> -> memref<1x128xi32, #tpu.memory_space<vmem>>
        %dma_wait3A_537 = tpu.memref_squeeze %dma_wait3A_536 : memref<1x128xi32, #tpu.memory_space<vmem>> -> memref<128xi32, #tpu.memory_space<vmem>>
        %dma_wait3A_538 = arith.constant 0 : i32
        %dma_wait3A_539 = tpu.memref_slice %arg3[%dma_wait3A, %dma_wait3A_538] : memref<3125x128xi32, #tpu.memory_space<hbm>> -> memref<1x128xi32, #tpu.memory_space<hbm>>
        %dma_wait3A_540 = tpu.memref_squeeze %dma_wait3A_539 : memref<1x128xi32, #tpu.memory_space<hbm>> -> memref<128xi32, #tpu.memory_space<hbm>>
        %dma_wait3A_541 = arith.constant 0 : i32
        %dma_wait3A_542 = tpu.memref_slice %arg5[%dma_wait3A_534, %dma_wait3A_541] : memref<7x128xi32, #tpu.memory_space<vmem>> -> memref<1x128xi32, #tpu.memory_space<vmem>>
        %dma_wait3A_543 = tpu.memref_squeeze %dma_wait3A_542 : memref<1x128xi32, #tpu.memory_space<vmem>> -> memref<128xi32, #tpu.memory_space<vmem>>
        %dma_wait3A_544 = arith.constant 0 : i32
        %dma_wait3A_545 = tpu.memref_slice %arg3[%dma_wait3A, %dma_wait3A_544] : memref<3125x128xi32, #tpu.memory_space<hbm>> -> memref<1x128xi32, #tpu.memory_space<hbm>>
        %dma_wait3A_546 = tpu.memref_squeeze %dma_wait3A_545 : memref<1x128xi32, #tpu.memory_space<hbm>> -> memref<128xi32, #tpu.memory_space<hbm>>
        tpu.wait_dma2 semaphore(%arg7 : memref<!tpu.dma_semaphore, #tpu.memory_space<semaphore_mem>>) src(%dma_wait3A_546 : memref<128xi32, #tpu.memory_space<hbm>>) dst(%dma_wait3A_543 : memref<128xi32, #tpu.memory_space<vmem>>)
        %dma_start3A = arith.constant 0 : i32
        %dma_start3A_547 = arith.constant 0 : i32
        %dma_start3A_548 = arith.constant 0 : i32
        %dma_start3A_549 = arith.constant 0 : i32
        %dma_start3A_550 = tpu.memref_slice %arg6[%dma_start3A_547, %dma_start3A_548, %dma_start3A_549] : memref<7x128x128xf32, #tpu.memory_space<vmem>> -> memref<1x128x128xf32, #tpu.memory_space<vmem>>
        %dma_start3A_551 = tpu.memref_squeeze %dma_start3A_550 : memref<1x128x128xf32, #tpu.memory_space<vmem>> -> memref<128x128xf32, #tpu.memory_space<vmem>>
        %dma_start3A_552 = arith.constant 0 : i32
        %dma_start3A_553 = tpu.memref_slice %arg5[%dma_start3A, %dma_start3A_552] : memref<7x128xi32, #tpu.memory_space<vmem>> -> memref<1x128xi32, #tpu.memory_space<vmem>>
        %dma_start3A_554 = tpu.memref_squeeze %dma_start3A_553 : memref<1x128xi32, #tpu.memory_space<vmem>> -> memref<128xi32, #tpu.memory_space<vmem>>
        %dma_start3A_555 = arith.constant 0 : i32
        %dma_start3A_556 = arith.constant 0 : i32
        %dma_start3A_557 = tpu.memref_slice %arg2[%dma_start3A_555, %dma_start3A_556] : memref<100001x128xf32, #tpu.memory_space<hbm>> -> memref<100001x128xf32, #tpu.memory_space<hbm>>
        tpu.enqueue_indirect_dma source(%dma_start3A_557 : memref<100001x128xf32, #tpu.memory_space<hbm>>) target(%dma_start3A_551 : memref<128x128xf32, #tpu.memory_space<vmem>>) offsets(%dma_start3A_554 : memref<128xi32, #tpu.memory_space<vmem>>) semaphore(%arg14 : memref<!tpu.dma_semaphore, #tpu.memory_space<semaphore_mem>>)
      } else {
      }
      %mul3A_455 = arith.constant 7 : i32
      %mul3A_456 = arith.muli %scan3A_80, %mul3A_455 : i32
      %add3A_457 = arith.constant 5 : i32
      %add3A_458 = arith.addi %mul3A_456, %add3A_457 : i32
      %add3A_459 = arith.constant 0 : i32
      %add3A_460 = arith.addi %add3A_458, %add3A_459 : i32
      %mul3A_461 = arith.constant 32 : i32
      %mul3A_462 = arith.muli %add3A_460, %mul3A_461 : i32
      %add3A_463 = arith.addi %add3A, %mul3A_462 : i32
      %lt3A_464 = arith.constant 3125 : i32
      %lt3A_465 = arith.cmpi slt, %add3A_463, %lt3A_464 : i32
      %convert_element_type3A_466 = arith.extui %lt3A_465 : i1 to i32
      %cond3A_467 = arith.constant 0 : i32
      %cond3A_468 = arith.cmpi ne, %convert_element_type3A_466, %cond3A_467 : i32
      scf.if %cond3A_468 {
        %dma_wait3A = arith.constant 5 : i32
        %dma_wait3A_534 = arith.constant 0 : i32
        %dma_wait3A_535 = arith.constant 0 : i32
        %dma_wait3A_536 = tpu.memref_slice %arg6[%dma_wait3A, %dma_wait3A_534, %dma_wait3A_535] : memref<7x128x128xf32, #tpu.memory_space<vmem>> -> memref<1x128x128xf32, #tpu.memory_space<vmem>>
        %dma_wait3A_537 = tpu.memref_squeeze %dma_wait3A_536 : memref<1x128x128xf32, #tpu.memory_space<vmem>> -> memref<128x128xf32, #tpu.memory_space<vmem>>
        %dma_wait3A_538 = arith.constant 0 : i32
        %dma_wait3A_539 = arith.constant 0 : i32
        %dma_wait3A_540 = tpu.memref_slice %arg2[%dma_wait3A_538, %dma_wait3A_539] : memref<100001x128xf32, #tpu.memory_space<hbm>> -> memref<128x128xf32, #tpu.memory_space<hbm>>
        %dma_wait3A_541 = arith.constant 0 : i32
        %dma_wait3A_542 = arith.constant 0 : i32
        %dma_wait3A_543 = tpu.memref_slice %arg6[%dma_wait3A, %dma_wait3A_541, %dma_wait3A_542] : memref<7x128x128xf32, #tpu.memory_space<vmem>> -> memref<1x128x128xf32, #tpu.memory_space<vmem>>
        %dma_wait3A_544 = tpu.memref_squeeze %dma_wait3A_543 : memref<1x128x128xf32, #tpu.memory_space<vmem>> -> memref<128x128xf32, #tpu.memory_space<vmem>>
        %dma_wait3A_545 = arith.constant 0 : i32
        %dma_wait3A_546 = arith.constant 0 : i32
        %dma_wait3A_547 = tpu.memref_slice %arg2[%dma_wait3A_545, %dma_wait3A_546] : memref<100001x128xf32, #tpu.memory_space<hbm>> -> memref<128x128xf32, #tpu.memory_space<hbm>>
        tpu.wait_dma2 semaphore(%arg19 : memref<!tpu.dma_semaphore, #tpu.memory_space<semaphore_mem>>) src(%dma_wait3A_547 : memref<128x128xf32, #tpu.memory_space<hbm>>) dst(%dma_wait3A_544 : memref<128x128xf32, #tpu.memory_space<vmem>>)
        %mul3A_548 = arith.constant 7 : i32
        %mul3A_549 = arith.muli %scan3A_80, %mul3A_548 : i32
        %add3A_550 = arith.constant 5 : i32
        %add3A_551 = arith.addi %mul3A_549, %add3A_550 : i32
        %add3A_552 = arith.constant 0 : i32
        %add3A_553 = arith.addi %add3A_551, %add3A_552 : i32
        %mul3A_554 = arith.constant 32 : i32
        %mul3A_555 = arith.muli %add3A_553, %mul3A_554 : i32
        %add3A_556 = arith.addi %add3A, %mul3A_555 : i32
        %mul3A_557 = arith.constant 128 : i32
        %mul3A_558 = arith.muli %add3A_556, %mul3A_557 : i32
        %dma_start3A = arith.constant 5 : i32
        %dma_start3A_559 = arith.constant 0 : i32
        %dma_start3A_560 = arith.constant 0 : i32
        %dma_start3A_561 = tpu.memref_slice %arg6[%dma_start3A, %dma_start3A_559, %dma_start3A_560] : memref<7x128x128xf32, #tpu.memory_space<vmem>> -> memref<1x128x128xf32, #tpu.memory_space<vmem>>
        %dma_start3A_562 = tpu.memref_squeeze %dma_start3A_561 : memref<1x128x128xf32, #tpu.memory_space<vmem>> -> memref<128x128xf32, #tpu.memory_space<vmem>>
        %dma_start3A_563 = arith.constant 0 : i32
        %dma_start3A_564 = tpu.memref_slice %arg4[%mul3A_558, %dma_start3A_563] : memref<400000x128xf32, #tpu.memory_space<hbm>> -> memref<128x128xf32, #tpu.memory_space<hbm>>
        %dma_start3A_565 = arith.constant 0 : i32
        %dma_start3A_566 = tpu.memref_slice %arg4[%mul3A_558, %dma_start3A_565] : memref<400000x128xf32, #tpu.memory_space<hbm>> -> memref<128x128xf32, #tpu.memory_space<hbm>>
        %dma_start3A_567 = arith.constant 0 : i32
        %dma_start3A_568 = arith.constant 0 : i32
        %dma_start3A_569 = tpu.memref_slice %arg6[%dma_start3A, %dma_start3A_567, %dma_start3A_568] : memref<7x128x128xf32, #tpu.memory_space<vmem>> -> memref<1x128x128xf32, #tpu.memory_space<vmem>>
        %dma_start3A_570 = tpu.memref_squeeze %dma_start3A_569 : memref<1x128x128xf32, #tpu.memory_space<vmem>> -> memref<128x128xf32, #tpu.memory_space<vmem>>
        tpu.enqueue_dma source(%dma_start3A_570 : memref<128x128xf32, #tpu.memory_space<vmem>>) target(%dma_start3A_566 : memref<128x128xf32, #tpu.memory_space<hbm>>) target_semaphore(%arg26 : memref<!tpu.dma_semaphore, #tpu.memory_space<semaphore_mem>>)
      } else {
      }
      %mul3A_469 = arith.constant 7 : i32
      %mul3A_470 = arith.muli %scan3A_80, %mul3A_469 : i32
      %add3A_471 = arith.constant 6 : i32
      %add3A_472 = arith.addi %mul3A_470, %add3A_471 : i32
      %add3A_473 = arith.constant -5 : i32
      %add3A_474 = arith.addi %add3A_472, %add3A_473 : i32
      %mul3A_475 = arith.constant 32 : i32
      %mul3A_476 = arith.muli %add3A_474, %mul3A_475 : i32
      %add3A_477 = arith.addi %add3A, %mul3A_476 : i32
      %lt3A_478 = arith.constant 3125 : i32
      %lt3A_479 = arith.cmpi slt, %add3A_477, %lt3A_478 : i32
      %mul3A_480 = arith.constant 7 : i32
      %mul3A_481 = arith.muli %scan3A_80, %mul3A_480 : i32
      %add3A_482 = arith.constant 6 : i32
      %add3A_483 = arith.addi %mul3A_481, %add3A_482 : i32
      %add3A_484 = arith.constant 0 : i32
      %add3A_485 = arith.addi %add3A_483, %add3A_484 : i32
      %ge3A_486 = arith.constant 5 : i32
      %ge3A_487 = arith.cmpi sge, %add3A_485, %ge3A_486 : i32
      %and3A_488 = arith.andi %lt3A_479, %ge3A_487 : i1
      %convert_element_type3A_489 = arith.extui %and3A_488 : i1 to i32
      %cond3A_490 = arith.constant 0 : i32
      %cond3A_491 = arith.cmpi ne, %convert_element_type3A_489, %cond3A_490 : i32
      scf.if %cond3A_491 {
        %dma_wait3A = arith.constant 1 : i32
        %dma_wait3A_534 = arith.constant 0 : i32
        %dma_wait3A_535 = arith.constant 0 : i32
        %dma_wait3A_536 = tpu.memref_slice %arg6[%dma_wait3A, %dma_wait3A_534, %dma_wait3A_535] : memref<7x128x128xf32, #tpu.memory_space<vmem>> -> memref<1x128x128xf32, #tpu.memory_space<vmem>>
        %dma_wait3A_537 = tpu.memref_squeeze %dma_wait3A_536 : memref<1x128x128xf32, #tpu.memory_space<vmem>> -> memref<128x128xf32, #tpu.memory_space<vmem>>
        %dma_wait3A_538 = arith.constant 0 : i32
        %dma_wait3A_539 = arith.constant 0 : i32
        %dma_wait3A_540 = tpu.memref_slice %arg4[%dma_wait3A_538, %dma_wait3A_539] : memref<400000x128xf32, #tpu.memory_space<hbm>> -> memref<128x128xf32, #tpu.memory_space<hbm>>
        %dma_wait3A_541 = arith.constant 0 : i32
        %dma_wait3A_542 = arith.constant 0 : i32
        %dma_wait3A_543 = tpu.memref_slice %arg4[%dma_wait3A_541, %dma_wait3A_542] : memref<400000x128xf32, #tpu.memory_space<hbm>> -> memref<128x128xf32, #tpu.memory_space<hbm>>
        %dma_wait3A_544 = arith.constant 0 : i32
        %dma_wait3A_545 = arith.constant 0 : i32
        %dma_wait3A_546 = tpu.memref_slice %arg6[%dma_wait3A, %dma_wait3A_544, %dma_wait3A_545] : memref<7x128x128xf32, #tpu.memory_space<vmem>> -> memref<1x128x128xf32, #tpu.memory_space<vmem>>
        %dma_wait3A_547 = tpu.memref_squeeze %dma_wait3A_546 : memref<1x128x128xf32, #tpu.memory_space<vmem>> -> memref<128x128xf32, #tpu.memory_space<vmem>>
        tpu.wait_dma2 semaphore(%arg22 : memref<!tpu.dma_semaphore, #tpu.memory_space<semaphore_mem>>) src(%dma_wait3A_547 : memref<128x128xf32, #tpu.memory_space<vmem>>) dst(%dma_wait3A_543 : memref<128x128xf32, #tpu.memory_space<hbm>>)
      } else {
      }
      %mul3A_492 = arith.constant 7 : i32
      %mul3A_493 = arith.muli %scan3A_80, %mul3A_492 : i32
      %add3A_494 = arith.constant 6 : i32
      %add3A_495 = arith.addi %mul3A_493, %add3A_494 : i32
      %add3A_496 = arith.constant 4 : i32
      %add3A_497 = arith.addi %add3A_495, %add3A_496 : i32
      %mul3A_498 = arith.constant 32 : i32
      %mul3A_499 = arith.muli %add3A_497, %mul3A_498 : i32
      %add3A_500 = arith.addi %add3A, %mul3A_499 : i32
      %lt3A_501 = arith.constant 3125 : i32
      %lt3A_502 = arith.cmpi slt, %add3A_500, %lt3A_501 : i32
      %convert_element_type3A_503 = arith.extui %lt3A_502 : i1 to i32
      %cond3A_504 = arith.constant 0 : i32
      %cond3A_505 = arith.cmpi ne, %convert_element_type3A_503, %cond3A_504 : i32
      scf.if %cond3A_505 {
        %mul3A_534 = arith.constant 7 : i32
        %mul3A_535 = arith.muli %scan3A_80, %mul3A_534 : i32
        %add3A_536 = arith.constant 6 : i32
        %add3A_537 = arith.addi %mul3A_535, %add3A_536 : i32
        %add3A_538 = arith.constant 4 : i32
        %add3A_539 = arith.addi %add3A_537, %add3A_538 : i32
        %mul3A_540 = arith.constant 32 : i32
        %mul3A_541 = arith.muli %add3A_539, %mul3A_540 : i32
        %add3A_542 = arith.addi %add3A, %mul3A_541 : i32
        %dma_start3A = arith.constant 3 : i32
        %dma_start3A_543 = arith.constant 0 : i32
        %dma_start3A_544 = tpu.memref_slice %arg5[%dma_start3A, %dma_start3A_543] : memref<7x128xi32, #tpu.memory_space<vmem>> -> memref<1x128xi32, #tpu.memory_space<vmem>>
        %dma_start3A_545 = tpu.memref_squeeze %dma_start3A_544 : memref<1x128xi32, #tpu.memory_space<vmem>> -> memref<128xi32, #tpu.memory_space<vmem>>
        %dma_start3A_546 = arith.constant 0 : i32
        %dma_start3A_547 = tpu.memref_slice %arg3[%add3A_542, %dma_start3A_546] : memref<3125x128xi32, #tpu.memory_space<hbm>> -> memref<1x128xi32, #tpu.memory_space<hbm>>
        %dma_start3A_548 = tpu.memref_squeeze %dma_start3A_547 : memref<1x128xi32, #tpu.memory_space<hbm>> -> memref<128xi32, #tpu.memory_space<hbm>>
        %dma_start3A_549 = arith.constant 0 : i32
        %dma_start3A_550 = tpu.memref_slice %arg5[%dma_start3A, %dma_start3A_549] : memref<7x128xi32, #tpu.memory_space<vmem>> -> memref<1x128xi32, #tpu.memory_space<vmem>>
        %dma_start3A_551 = tpu.memref_squeeze %dma_start3A_550 : memref<1x128xi32, #tpu.memory_space<vmem>> -> memref<128xi32, #tpu.memory_space<vmem>>
        %dma_start3A_552 = arith.constant 0 : i32
        %dma_start3A_553 = tpu.memref_slice %arg3[%add3A_542, %dma_start3A_552] : memref<3125x128xi32, #tpu.memory_space<hbm>> -> memref<1x128xi32, #tpu.memory_space<hbm>>
        %dma_start3A_554 = tpu.memref_squeeze %dma_start3A_553 : memref<1x128xi32, #tpu.memory_space<hbm>> -> memref<128xi32, #tpu.memory_space<hbm>>
        tpu.enqueue_dma source(%dma_start3A_554 : memref<128xi32, #tpu.memory_space<hbm>>) target(%dma_start3A_551 : memref<128xi32, #tpu.memory_space<vmem>>) target_semaphore(%arg10 : memref<!tpu.dma_semaphore, #tpu.memory_space<semaphore_mem>>)
      } else {
      }
      %mul3A_506 = arith.constant 7 : i32
      %mul3A_507 = arith.muli %scan3A_80, %mul3A_506 : i32
      %add3A_508 = arith.constant 6 : i32
      %add3A_509 = arith.addi %mul3A_507, %add3A_508 : i32
      %add3A_510 = arith.constant 2 : i32
      %add3A_511 = arith.addi %add3A_509, %add3A_510 : i32
      %mul3A_512 = arith.constant 32 : i32
      %mul3A_513 = arith.muli %add3A_511, %mul3A_512 : i32
      %add3A_514 = arith.addi %add3A, %mul3A_513 : i32
      %lt3A_515 = arith.constant 3125 : i32
      %lt3A_516 = arith.cmpi slt, %add3A_514, %lt3A_515 : i32
      %convert_element_type3A_517 = arith.extui %lt3A_516 : i1 to i32
      %cond3A_518 = arith.constant 0 : i32
      %cond3A_519 = arith.cmpi ne, %convert_element_type3A_517, %cond3A_518 : i32
      scf.if %cond3A_519 {
        %dma_wait3A = arith.constant 0 : i32
        %dma_wait3A_534 = arith.constant 1 : i32
        %dma_wait3A_535 = arith.constant 0 : i32
        %dma_wait3A_536 = tpu.memref_slice %arg5[%dma_wait3A_534, %dma_wait3A_535] : memref<7x128xi32, #tpu.memory_space<vmem>> -> memref<1x128xi32, #tpu.memory_space<vmem>>
        %dma_wait3A_537 = tpu.memref_squeeze %dma_wait3A_536 : memref<1x128xi32, #tpu.memory_space<vmem>> -> memref<128xi32, #tpu.memory_space<vmem>>
        %dma_wait3A_538 = arith.constant 0 : i32
        %dma_wait3A_539 = tpu.memref_slice %arg3[%dma_wait3A, %dma_wait3A_538] : memref<3125x128xi32, #tpu.memory_space<hbm>> -> memref<1x128xi32, #tpu.memory_space<hbm>>
        %dma_wait3A_540 = tpu.memref_squeeze %dma_wait3A_539 : memref<1x128xi32, #tpu.memory_space<hbm>> -> memref<128xi32, #tpu.memory_space<hbm>>
        %dma_wait3A_541 = arith.constant 0 : i32
        %dma_wait3A_542 = tpu.memref_slice %arg5[%dma_wait3A_534, %dma_wait3A_541] : memref<7x128xi32, #tpu.memory_space<vmem>> -> memref<1x128xi32, #tpu.memory_space<vmem>>
        %dma_wait3A_543 = tpu.memref_squeeze %dma_wait3A_542 : memref<1x128xi32, #tpu.memory_space<vmem>> -> memref<128xi32, #tpu.memory_space<vmem>>
        %dma_wait3A_544 = arith.constant 0 : i32
        %dma_wait3A_545 = tpu.memref_slice %arg3[%dma_wait3A, %dma_wait3A_544] : memref<3125x128xi32, #tpu.memory_space<hbm>> -> memref<1x128xi32, #tpu.memory_space<hbm>>
        %dma_wait3A_546 = tpu.memref_squeeze %dma_wait3A_545 : memref<1x128xi32, #tpu.memory_space<hbm>> -> memref<128xi32, #tpu.memory_space<hbm>>
        tpu.wait_dma2 semaphore(%arg8 : memref<!tpu.dma_semaphore, #tpu.memory_space<semaphore_mem>>) src(%dma_wait3A_546 : memref<128xi32, #tpu.memory_space<hbm>>) dst(%dma_wait3A_543 : memref<128xi32, #tpu.memory_space<vmem>>)
        %dma_start3A = arith.constant 1 : i32
        %dma_start3A_547 = arith.constant 1 : i32
        %dma_start3A_548 = arith.constant 0 : i32
        %dma_start3A_549 = arith.constant 0 : i32
        %dma_start3A_550 = tpu.memref_slice %arg6[%dma_start3A_547, %dma_start3A_548, %dma_start3A_549] : memref<7x128x128xf32, #tpu.memory_space<vmem>> -> memref<1x128x128xf32, #tpu.memory_space<vmem>>
        %dma_start3A_551 = tpu.memref_squeeze %dma_start3A_550 : memref<1x128x128xf32, #tpu.memory_space<vmem>> -> memref<128x128xf32, #tpu.memory_space<vmem>>
        %dma_start3A_552 = arith.constant 0 : i32
        %dma_start3A_553 = tpu.memref_slice %arg5[%dma_start3A, %dma_start3A_552] : memref<7x128xi32, #tpu.memory_space<vmem>> -> memref<1x128xi32, #tpu.memory_space<vmem>>
        %dma_start3A_554 = tpu.memref_squeeze %dma_start3A_553 : memref<1x128xi32, #tpu.memory_space<vmem>> -> memref<128xi32, #tpu.memory_space<vmem>>
        %dma_start3A_555 = arith.constant 0 : i32
        %dma_start3A_556 = arith.constant 0 : i32
        %dma_start3A_557 = tpu.memref_slice %arg2[%dma_start3A_555, %dma_start3A_556] : memref<100001x128xf32, #tpu.memory_space<hbm>> -> memref<100001x128xf32, #tpu.memory_space<hbm>>
        tpu.enqueue_indirect_dma source(%dma_start3A_557 : memref<100001x128xf32, #tpu.memory_space<hbm>>) target(%dma_start3A_551 : memref<128x128xf32, #tpu.memory_space<vmem>>) offsets(%dma_start3A_554 : memref<128xi32, #tpu.memory_space<vmem>>) semaphore(%arg15 : memref<!tpu.dma_semaphore, #tpu.memory_space<semaphore_mem>>)
      } else {
      }
      %mul3A_520 = arith.constant 7 : i32
      %mul3A_521 = arith.muli %scan3A_80, %mul3A_520 : i32
      %add3A_522 = arith.constant 6 : i32
      %add3A_523 = arith.addi %mul3A_521, %add3A_522 : i32
      %add3A_524 = arith.constant 0 : i32
      %add3A_525 = arith.addi %add3A_523, %add3A_524 : i32
      %mul3A_526 = arith.constant 32 : i32
      %mul3A_527 = arith.muli %add3A_525, %mul3A_526 : i32
      %add3A_528 = arith.addi %add3A, %mul3A_527 : i32
      %lt3A_529 = arith.constant 3125 : i32
      %lt3A_530 = arith.cmpi slt, %add3A_528, %lt3A_529 : i32
      %convert_element_type3A_531 = arith.extui %lt3A_530 : i1 to i32
      %cond3A_532 = arith.constant 0 : i32
      %cond3A_533 = arith.cmpi ne, %convert_element_type3A_531, %cond3A_532 : i32
      scf.if %cond3A_533 {
        %dma_wait3A = arith.constant 6 : i32
        %dma_wait3A_534 = arith.constant 0 : i32
        %dma_wait3A_535 = arith.constant 0 : i32
        %dma_wait3A_536 = tpu.memref_slice %arg6[%dma_wait3A, %dma_wait3A_534, %dma_wait3A_535] : memref<7x128x128xf32, #tpu.memory_space<vmem>> -> memref<1x128x128xf32, #tpu.memory_space<vmem>>
        %dma_wait3A_537 = tpu.memref_squeeze %dma_wait3A_536 : memref<1x128x128xf32, #tpu.memory_space<vmem>> -> memref<128x128xf32, #tpu.memory_space<vmem>>
        %dma_wait3A_538 = arith.constant 0 : i32
        %dma_wait3A_539 = arith.constant 0 : i32
        %dma_wait3A_540 = tpu.memref_slice %arg2[%dma_wait3A_538, %dma_wait3A_539] : memref<100001x128xf32, #tpu.memory_space<hbm>> -> memref<128x128xf32, #tpu.memory_space<hbm>>
        %dma_wait3A_541 = arith.constant 0 : i32
        %dma_wait3A_542 = arith.constant 0 : i32
        %dma_wait3A_543 = tpu.memref_slice %arg6[%dma_wait3A, %dma_wait3A_541, %dma_wait3A_542] : memref<7x128x128xf32, #tpu.memory_space<vmem>> -> memref<1x128x128xf32, #tpu.memory_space<vmem>>
        %dma_wait3A_544 = tpu.memref_squeeze %dma_wait3A_543 : memref<1x128x128xf32, #tpu.memory_space<vmem>> -> memref<128x128xf32, #tpu.memory_space<vmem>>
        %dma_wait3A_545 = arith.constant 0 : i32
        %dma_wait3A_546 = arith.constant 0 : i32
        %dma_wait3A_547 = tpu.memref_slice %arg2[%dma_wait3A_545, %dma_wait3A_546] : memref<100001x128xf32, #tpu.memory_space<hbm>> -> memref<128x128xf32, #tpu.memory_space<hbm>>
        tpu.wait_dma2 semaphore(%arg20 : memref<!tpu.dma_semaphore, #tpu.memory_space<semaphore_mem>>) src(%dma_wait3A_547 : memref<128x128xf32, #tpu.memory_space<hbm>>) dst(%dma_wait3A_544 : memref<128x128xf32, #tpu.memory_space<vmem>>)
        %mul3A_548 = arith.constant 7 : i32
        %mul3A_549 = arith.muli %scan3A_80, %mul3A_548 : i32
        %add3A_550 = arith.constant 6 : i32
        %add3A_551 = arith.addi %mul3A_549, %add3A_550 : i32
        %add3A_552 = arith.constant 0 : i32
        %add3A_553 = arith.addi %add3A_551, %add3A_552 : i32
        %mul3A_554 = arith.constant 32 : i32
        %mul3A_555 = arith.muli %add3A_553, %mul3A_554 : i32
        %add3A_556 = arith.addi %add3A, %mul3A_555 : i32
        %mul3A_557 = arith.constant 128 : i32
        %mul3A_558 = arith.muli %add3A_556, %mul3A_557 : i32
        %dma_start3A = arith.constant 6 : i32
        %dma_start3A_559 = arith.constant 0 : i32
        %dma_start3A_560 = arith.constant 0 : i32
        %dma_start3A_561 = tpu.memref_slice %arg6[%dma_start3A, %dma_start3A_559, %dma_start3A_560] : memref<7x128x128xf32, #tpu.memory_space<vmem>> -> memref<1x128x128xf32, #tpu.memory_space<vmem>>
        %dma_start3A_562 = tpu.memref_squeeze %dma_start3A_561 : memref<1x128x128xf32, #tpu.memory_space<vmem>> -> memref<128x128xf32, #tpu.memory_space<vmem>>
        %dma_start3A_563 = arith.constant 0 : i32
        %dma_start3A_564 = tpu.memref_slice %arg4[%mul3A_558, %dma_start3A_563] : memref<400000x128xf32, #tpu.memory_space<hbm>> -> memref<128x128xf32, #tpu.memory_space<hbm>>
        %dma_start3A_565 = arith.constant 0 : i32
        %dma_start3A_566 = tpu.memref_slice %arg4[%mul3A_558, %dma_start3A_565] : memref<400000x128xf32, #tpu.memory_space<hbm>> -> memref<128x128xf32, #tpu.memory_space<hbm>>
        %dma_start3A_567 = arith.constant 0 : i32
        %dma_start3A_568 = arith.constant 0 : i32
        %dma_start3A_569 = tpu.memref_slice %arg6[%dma_start3A, %dma_start3A_567, %dma_start3A_568] : memref<7x128x128xf32, #tpu.memory_space<vmem>> -> memref<1x128x128xf32, #tpu.memory_space<vmem>>
        %dma_start3A_570 = tpu.memref_squeeze %dma_start3A_569 : memref<1x128x128xf32, #tpu.memory_space<vmem>> -> memref<128x128xf32, #tpu.memory_space<vmem>>
        tpu.enqueue_dma source(%dma_start3A_570 : memref<128x128xf32, #tpu.memory_space<vmem>>) target(%dma_start3A_566 : memref<128x128xf32, #tpu.memory_space<hbm>>) target_semaphore(%arg27 : memref<!tpu.dma_semaphore, #tpu.memory_space<semaphore_mem>>)
      } else {
      }
    }
    %scan3A_44 = arith.constant 14 : i32
    %add3A_45 = arith.constant 2976 : i32
    %add3A_46 = arith.addi %add3A, %add3A_45 : i32
    %lt3A_47 = arith.constant 3125 : i32
    %lt3A_48 = arith.cmpi slt, %add3A_46, %lt3A_47 : i32
    %convert_element_type3A_49 = arith.extui %lt3A_48 : i1 to i32
    %cond3A_50 = arith.constant 0 : i32
    %cond3A_51 = arith.cmpi ne, %convert_element_type3A_49, %cond3A_50 : i32
    scf.if %cond3A_51 {
      %dma_wait3A = arith.constant 2 : i32
      %dma_wait3A_80 = arith.constant 0 : i32
      %dma_wait3A_81 = arith.constant 0 : i32
      %dma_wait3A_82 = tpu.memref_slice %arg6[%dma_wait3A, %dma_wait3A_80, %dma_wait3A_81] : memref<7x128x128xf32, #tpu.memory_space<vmem>> -> memref<1x128x128xf32, #tpu.memory_space<vmem>>
      %dma_wait3A_83 = tpu.memref_squeeze %dma_wait3A_82 : memref<1x128x128xf32, #tpu.memory_space<vmem>> -> memref<128x128xf32, #tpu.memory_space<vmem>>
      %dma_wait3A_84 = arith.constant 0 : i32
      %dma_wait3A_85 = arith.constant 0 : i32
      %dma_wait3A_86 = tpu.memref_slice %arg4[%dma_wait3A_84, %dma_wait3A_85] : memref<400000x128xf32, #tpu.memory_space<hbm>> -> memref<128x128xf32, #tpu.memory_space<hbm>>
      %dma_wait3A_87 = arith.constant 0 : i32
      %dma_wait3A_88 = arith.constant 0 : i32
      %dma_wait3A_89 = tpu.memref_slice %arg4[%dma_wait3A_87, %dma_wait3A_88] : memref<400000x128xf32, #tpu.memory_space<hbm>> -> memref<128x128xf32, #tpu.memory_space<hbm>>
      %dma_wait3A_90 = arith.constant 0 : i32
      %dma_wait3A_91 = arith.constant 0 : i32
      %dma_wait3A_92 = tpu.memref_slice %arg6[%dma_wait3A, %dma_wait3A_90, %dma_wait3A_91] : memref<7x128x128xf32, #tpu.memory_space<vmem>> -> memref<1x128x128xf32, #tpu.memory_space<vmem>>
      %dma_wait3A_93 = tpu.memref_squeeze %dma_wait3A_92 : memref<1x128x128xf32, #tpu.memory_space<vmem>> -> memref<128x128xf32, #tpu.memory_space<vmem>>
      tpu.wait_dma2 semaphore(%arg23 : memref<!tpu.dma_semaphore, #tpu.memory_space<semaphore_mem>>) src(%dma_wait3A_93 : memref<128x128xf32, #tpu.memory_space<vmem>>) dst(%dma_wait3A_89 : memref<128x128xf32, #tpu.memory_space<hbm>>)
    } else {
    }
    %add3A_52 = arith.constant 3008 : i32
    %add3A_53 = arith.addi %add3A, %add3A_52 : i32
    %lt3A_54 = arith.constant 3125 : i32
    %lt3A_55 = arith.cmpi slt, %add3A_53, %lt3A_54 : i32
    %convert_element_type3A_56 = arith.extui %lt3A_55 : i1 to i32
    %cond3A_57 = arith.constant 0 : i32
    %cond3A_58 = arith.cmpi ne, %convert_element_type3A_56, %cond3A_57 : i32
    scf.if %cond3A_58 {
      %dma_wait3A = arith.constant 3 : i32
      %dma_wait3A_80 = arith.constant 0 : i32
      %dma_wait3A_81 = arith.constant 0 : i32
      %dma_wait3A_82 = tpu.memref_slice %arg6[%dma_wait3A, %dma_wait3A_80, %dma_wait3A_81] : memref<7x128x128xf32, #tpu.memory_space<vmem>> -> memref<1x128x128xf32, #tpu.memory_space<vmem>>
      %dma_wait3A_83 = tpu.memref_squeeze %dma_wait3A_82 : memref<1x128x128xf32, #tpu.memory_space<vmem>> -> memref<128x128xf32, #tpu.memory_space<vmem>>
      %dma_wait3A_84 = arith.constant 0 : i32
      %dma_wait3A_85 = arith.constant 0 : i32
      %dma_wait3A_86 = tpu.memref_slice %arg4[%dma_wait3A_84, %dma_wait3A_85] : memref<400000x128xf32, #tpu.memory_space<hbm>> -> memref<128x128xf32, #tpu.memory_space<hbm>>
      %dma_wait3A_87 = arith.constant 0 : i32
      %dma_wait3A_88 = arith.constant 0 : i32
      %dma_wait3A_89 = tpu.memref_slice %arg4[%dma_wait3A_87, %dma_wait3A_88] : memref<400000x128xf32, #tpu.memory_space<hbm>> -> memref<128x128xf32, #tpu.memory_space<hbm>>
      %dma_wait3A_90 = arith.constant 0 : i32
      %dma_wait3A_91 = arith.constant 0 : i32
      %dma_wait3A_92 = tpu.memref_slice %arg6[%dma_wait3A, %dma_wait3A_90, %dma_wait3A_91] : memref<7x128x128xf32, #tpu.memory_space<vmem>> -> memref<1x128x128xf32, #tpu.memory_space<vmem>>
      %dma_wait3A_93 = tpu.memref_squeeze %dma_wait3A_92 : memref<1x128x128xf32, #tpu.memory_space<vmem>> -> memref<128x128xf32, #tpu.memory_space<vmem>>
      tpu.wait_dma2 semaphore(%arg24 : memref<!tpu.dma_semaphore, #tpu.memory_space<semaphore_mem>>) src(%dma_wait3A_93 : memref<128x128xf32, #tpu.memory_space<vmem>>) dst(%dma_wait3A_89 : memref<128x128xf32, #tpu.memory_space<hbm>>)
    } else {
    }
    %add3A_59 = arith.constant 3040 : i32
    %add3A_60 = arith.addi %add3A, %add3A_59 : i32
    %lt3A_61 = arith.constant 3125 : i32
    %lt3A_62 = arith.cmpi slt, %add3A_60, %lt3A_61 : i32
    %convert_element_type3A_63 = arith.extui %lt3A_62 : i1 to i32
    %cond3A_64 = arith.constant 0 : i32
    %cond3A_65 = arith.cmpi ne, %convert_element_type3A_63, %cond3A_64 : i32
    scf.if %cond3A_65 {
      %dma_wait3A = arith.constant 4 : i32
      %dma_wait3A_80 = arith.constant 0 : i32
      %dma_wait3A_81 = arith.constant 0 : i32
      %dma_wait3A_82 = tpu.memref_slice %arg6[%dma_wait3A, %dma_wait3A_80, %dma_wait3A_81] : memref<7x128x128xf32, #tpu.memory_space<vmem>> -> memref<1x128x128xf32, #tpu.memory_space<vmem>>
      %dma_wait3A_83 = tpu.memref_squeeze %dma_wait3A_82 : memref<1x128x128xf32, #tpu.memory_space<vmem>> -> memref<128x128xf32, #tpu.memory_space<vmem>>
      %dma_wait3A_84 = arith.constant 0 : i32
      %dma_wait3A_85 = arith.constant 0 : i32
      %dma_wait3A_86 = tpu.memref_slice %arg4[%dma_wait3A_84, %dma_wait3A_85] : memref<400000x128xf32, #tpu.memory_space<hbm>> -> memref<128x128xf32, #tpu.memory_space<hbm>>
      %dma_wait3A_87 = arith.constant 0 : i32
      %dma_wait3A_88 = arith.constant 0 : i32
      %dma_wait3A_89 = tpu.memref_slice %arg4[%dma_wait3A_87, %dma_wait3A_88] : memref<400000x128xf32, #tpu.memory_space<hbm>> -> memref<128x128xf32, #tpu.memory_space<hbm>>
      %dma_wait3A_90 = arith.constant 0 : i32
      %dma_wait3A_91 = arith.constant 0 : i32
      %dma_wait3A_92 = tpu.memref_slice %arg6[%dma_wait3A, %dma_wait3A_90, %dma_wait3A_91] : memref<7x128x128xf32, #tpu.memory_space<vmem>> -> memref<1x128x128xf32, #tpu.memory_space<vmem>>
      %dma_wait3A_93 = tpu.memref_squeeze %dma_wait3A_92 : memref<1x128x128xf32, #tpu.memory_space<vmem>> -> memref<128x128xf32, #tpu.memory_space<vmem>>
      tpu.wait_dma2 semaphore(%arg25 : memref<!tpu.dma_semaphore, #tpu.memory_space<semaphore_mem>>) src(%dma_wait3A_93 : memref<128x128xf32, #tpu.memory_space<vmem>>) dst(%dma_wait3A_89 : memref<128x128xf32, #tpu.memory_space<hbm>>)
    } else {
    }
    %add3A_66 = arith.constant 3072 : i32
    %add3A_67 = arith.addi %add3A, %add3A_66 : i32
    %lt3A_68 = arith.constant 3125 : i32
    %lt3A_69 = arith.cmpi slt, %add3A_67, %lt3A_68 : i32
    %convert_element_type3A_70 = arith.extui %lt3A_69 : i1 to i32
    %cond3A_71 = arith.constant 0 : i32
    %cond3A_72 = arith.cmpi ne, %convert_element_type3A_70, %cond3A_71 : i32
    scf.if %cond3A_72 {
      %dma_wait3A = arith.constant 5 : i32
      %dma_wait3A_80 = arith.constant 0 : i32
      %dma_wait3A_81 = arith.constant 0 : i32
      %dma_wait3A_82 = tpu.memref_slice %arg6[%dma_wait3A, %dma_wait3A_80, %dma_wait3A_81] : memref<7x128x128xf32, #tpu.memory_space<vmem>> -> memref<1x128x128xf32, #tpu.memory_space<vmem>>
      %dma_wait3A_83 = tpu.memref_squeeze %dma_wait3A_82 : memref<1x128x128xf32, #tpu.memory_space<vmem>> -> memref<128x128xf32, #tpu.memory_space<vmem>>
      %dma_wait3A_84 = arith.constant 0 : i32
      %dma_wait3A_85 = arith.constant 0 : i32
      %dma_wait3A_86 = tpu.memref_slice %arg4[%dma_wait3A_84, %dma_wait3A_85] : memref<400000x128xf32, #tpu.memory_space<hbm>> -> memref<128x128xf32, #tpu.memory_space<hbm>>
      %dma_wait3A_87 = arith.constant 0 : i32
      %dma_wait3A_88 = arith.constant 0 : i32
      %dma_wait3A_89 = tpu.memref_slice %arg4[%dma_wait3A_87, %dma_wait3A_88] : memref<400000x128xf32, #tpu.memory_space<hbm>> -> memref<128x128xf32, #tpu.memory_space<hbm>>
      %dma_wait3A_90 = arith.constant 0 : i32
      %dma_wait3A_91 = arith.constant 0 : i32
      %dma_wait3A_92 = tpu.memref_slice %arg6[%dma_wait3A, %dma_wait3A_90, %dma_wait3A_91] : memref<7x128x128xf32, #tpu.memory_space<vmem>> -> memref<1x128x128xf32, #tpu.memory_space<vmem>>
      %dma_wait3A_93 = tpu.memref_squeeze %dma_wait3A_92 : memref<1x128x128xf32, #tpu.memory_space<vmem>> -> memref<128x128xf32, #tpu.memory_space<vmem>>
      tpu.wait_dma2 semaphore(%arg26 : memref<!tpu.dma_semaphore, #tpu.memory_space<semaphore_mem>>) src(%dma_wait3A_93 : memref<128x128xf32, #tpu.memory_space<vmem>>) dst(%dma_wait3A_89 : memref<128x128xf32, #tpu.memory_space<hbm>>)
    } else {
    }
    %add3A_73 = arith.constant 3104 : i32
    %add3A_74 = arith.addi %add3A, %add3A_73 : i32
    %lt3A_75 = arith.constant 3125 : i32
    %lt3A_76 = arith.cmpi slt, %add3A_74, %lt3A_75 : i32
    %convert_element_type3A_77 = arith.extui %lt3A_76 : i1 to i32
    %cond3A_78 = arith.constant 0 : i32
    %cond3A_79 = arith.cmpi ne, %convert_element_type3A_77, %cond3A_78 : i32
    scf.if %cond3A_79 {
      %dma_wait3A = arith.constant 6 : i32
      %dma_wait3A_80 = arith.constant 0 : i32
      %dma_wait3A_81 = arith.constant 0 : i32
      %dma_wait3A_82 = tpu.memref_slice %arg6[%dma_wait3A, %dma_wait3A_80, %dma_wait3A_81] : memref<7x128x128xf32, #tpu.memory_space<vmem>> -> memref<1x128x128xf32, #tpu.memory_space<vmem>>
      %dma_wait3A_83 = tpu.memref_squeeze %dma_wait3A_82 : memref<1x128x128xf32, #tpu.memory_space<vmem>> -> memref<128x128xf32, #tpu.memory_space<vmem>>
      %dma_wait3A_84 = arith.constant 0 : i32
      %dma_wait3A_85 = arith.constant 0 : i32
      %dma_wait3A_86 = tpu.memref_slice %arg4[%dma_wait3A_84, %dma_wait3A_85] : memref<400000x128xf32, #tpu.memory_space<hbm>> -> memref<128x128xf32, #tpu.memory_space<hbm>>
      %dma_wait3A_87 = arith.constant 0 : i32
      %dma_wait3A_88 = arith.constant 0 : i32
      %dma_wait3A_89 = tpu.memref_slice %arg4[%dma_wait3A_87, %dma_wait3A_88] : memref<400000x128xf32, #tpu.memory_space<hbm>> -> memref<128x128xf32, #tpu.memory_space<hbm>>
      %dma_wait3A_90 = arith.constant 0 : i32
      %dma_wait3A_91 = arith.constant 0 : i32
      %dma_wait3A_92 = tpu.memref_slice %arg6[%dma_wait3A, %dma_wait3A_90, %dma_wait3A_91] : memref<7x128x128xf32, #tpu.memory_space<vmem>> -> memref<1x128x128xf32, #tpu.memory_space<vmem>>
      %dma_wait3A_93 = tpu.memref_squeeze %dma_wait3A_92 : memref<1x128x128xf32, #tpu.memory_space<vmem>> -> memref<128x128xf32, #tpu.memory_space<vmem>>
      tpu.wait_dma2 semaphore(%arg27 : memref<!tpu.dma_semaphore, #tpu.memory_space<semaphore_mem>>) src(%dma_wait3A_93 : memref<128x128xf32, #tpu.memory_space<vmem>>) dst(%dma_wait3A_89 : memref<128x128xf32, #tpu.memory_space<hbm>>)
    } else {
    }
    return
  }
}

</mosaic_0001>

<sc_bundles>
// kernel: kernel.3.cloned.1.call-start
scs
__scs_entry_jumppad:
0x0: {  	(pc) =	sbr.rel $0x88, $3  }
0x1: {  	(tag) =	ssettag $0x0;
	lr =	simm.s32 $0x1  }
0x2: {  	[smem:$0x3F9F] =	sst lr;
	_ =	strace $0xD0000000  }
0x3: {  	_ = 	snop  }
0x4: {  	_ = 	snop  }
0x5: {  	_ = 	snop  }
0x6: {  	_ = 	snop  }
0x7: {  	_ = 	snop  }
__scs_overlays_trampoline_lowered:
0x8: {  	[smem:$0x3FAE] =	sst s0  }
0x9: {  	[smem:$0x3FAF] =	sst s1  }
0xa: {  	[smem:$0x3FB0] =	sst s2  }
0xb: {  	[smem:$0x3FB1] =	sst s3  }
0xc: {  	[smem:$0x3FB2] =	sst s4  }
0xd: {  	[smem:$0x3FB3] =	sst s5  }
0xe: {  	[smem:$0x3FB4] =	sst s6  }
0xf: {  	[smem:$0x3FB5] =	sst s7  }
0x10: {  	[smem:$0x3FB6] =	sst s8  }
0x11: {  	[smem:$0x3FB7] =	sst s9;
	s0 =	simm.s32 @!p0 $0x0  }
0x12: {  	s1 =	sld [smem:$0x3F9D];
	s0 =	simm.s32 @p0 $0x1  }
0x13: {  	[smem:$0x3FB8] =	sst s0;
	s0 =	simm.s32 @!p1 $0x0  }
0x14: {  	s2 =	sld [smem:$0x3F9C];
	s0 =	simm.s32 @p1 $0x1  }
0x15: {  	[smem:$0x3FB9] =	sst s0;
	s0 =	simm.s32 @!p2 $0x0  }
0x16: {  	s3 =	sld [smem:$0x3FDB];
	s0 =	simm.s32 @p2 $0x1  }
0x17: {  	s4 =	simm.s32 $0x1BF5;
	[smem:$0x3FBB] =	sst s0  }
0x18: {  	s0 =	sld [smem:$0x3F9E];
	_ =	swait.ge [sflag:s4], $0x0  }
0x19: {  	s7 =	sld [smem:$0x3F9F]  }
0x1a: {  	s8 =	sadd.s32 $0xFFFFE003, lr  }
0x1b: {  	s9 =	sadd.s32 $0xFFFFFEF7, lr;
	s5 =	simm.s32 $0xFFFFFFFF;
	p2 =	slt.u32 s8, $0xFFFFF086  }
0x1c: {  	p1 =	slt.u32 s9, $0xF7A;
	s5 =	simm.s32 @!p2 $0x0  }
0x1d: {  	s5 =	simm.s32 @p1 $0x1;
	p0 =	seq.s32 s7, s2  }
0x1e: {  	s7 =	smul.u32 @!p0 $0xF7A, s2;
	p2 =	seq.s32 @!p0 s5, $0x0  }
0x1f: {  	s9 =	smul.u32 $0xF7A, s1;
	s8 =	simm.s32 @!p0 $0x1BF5;
	p2 =	por !p2, p0  }
0x20: {  	[sflag:s8] =	ssyncset.s32 @!p0 $0xFFFFF086;
	s6 =	sadd.s32 @!p0 s3, s7;
	s7 =	simm.s32 @!p0 $0x108  }
0x21: {  	s3 =	sadd.s32 s3, s9;
	s6 =	sadd.s32 @!p0 $0x88, s6;
	s7 =	simm.s32 @p2 $0x1082  }
0x22: {  	[simem:s7], [sflag:s8] =	dma.local @!p0 [hbm:s6], $0xF7A  }
0x23: {  	s9 =	sor.u32 $0xD0000000, s2;
	s6 =	simm.s32 $0x108;
	_ =	swait.ge @!p0 [sflag:s8], $0x0  }
0x24: {  	s3 =	sadd.s32 $0x88, s3;
	s6 =	simm.s32 @!p1 $0x1082;
	[sflag:s4] =	ssyncset.s32 $0xFFFFF086  }
0x25: {  	[simem:s6], [sflag:s4] =	dma.local [hbm:s3], $0xF7A  }
0x26: {  	[smem:$0x3F9F] =	sst s1;
	(tag) =	ssettag s2;
	_ =	strace s9  }
0x27: {  	s1 =	sld [smem:$0x3FAF]  }
0x28: {  	s2 =	sld [smem:$0x3FB0]  }
0x29: {  	s4 =	sld [smem:$0x3FB2]  }
0x2a: {  	p0 =	seq.s32 s5, $0x0;
	s5 =	sld [smem:$0x3FB3]  }
0x2b: {  	s6 =	sld [smem:$0x3FB4]  }
0x2c: {  	s7 =	sld [smem:$0x3FB5]  }
0x2d: {  	s3 =	simm.s32 $0x108;
	s8 =	sld [smem:$0x3FB6]  }
0x2e: {  	s3 =	simm.s32 @!p0 $0x1082;
	s9 =	sld [smem:$0x3FB7]  }
0x2f: {  	lr =	sadd.s32 s0, s3;
	s0 =	sld [smem:$0x3FAE]  }
0x30: {  	s3 =	sld [smem:$0x3FB1]  }
0x31: {  	[smem:$0x3FBA] =	sst s10  }
0x32: {  	s10 =	sld [smem:$0x3FB8];
	_ =	sdelay $0x3  }
0x33: {  	p0 =	seq.s32 s10, $0x1;
	s10 =	sld [smem:$0x3FBA];
	_ =	sdelay $0x3  }
0x34: {  	[smem:$0x3FBA] =	sst s10  }
0x35: {  	s10 =	sld [smem:$0x3FB9];
	_ =	sdelay $0x3  }
0x36: {  	p1 =	seq.s32 s10, $0x1;
	s10 =	sld [smem:$0x3FBA];
	_ =	sdelay $0x3  }
0x37: {  	[smem:$0x3FBA] =	sst s10  }
0x38: {  	s10 =	sld [smem:$0x3FBB]  }
0x39: {  	_ = 	snop;
	(pc) =	sbr.ind lr, $3  }
0x3a: {  	_ = 	snop  }
0x3b: {  	_ = 	snop  }
0x3c: {  	p2 =	seq.s32 s10, $0x1;
	s10 =	sld [smem:$0x3FBA]  }
0x3d: {  	_ =	shalt  }
0x3e: {  	_ =	shalt  }
0x3f: {  	_ =	shalt  }
0x40: {  	_ =	shalt  }
0x41: {  	_ =	shalt  }
0x42: {  	_ =	shalt  }
0x43: {  	_ =	shalt  }
0x44: {  	_ =	shalt  }
0x45: {  	_ =	shalt  }
0x46: {  	_ =	shalt  }
0x47: {  	_ =	shalt  }
0x48: {  	_ =	shalt  }
0x49: {  	_ =	shalt  }
0x4a: {  	_ =	shalt  }
0x4b: {  	_ =	shalt  }
0x4c: {  	_ =	shalt  }
0x4d: {  	_ =	shalt  }
0x4e: {  	_ =	shalt  }
0x4f: {  	_ =	shalt  }
0x50: {  	_ =	shalt  }
0x51: {  	_ =	shalt  }
0x52: {  	_ =	shalt  }
0x53: {  	_ =	shalt  }
0x54: {  	_ =	shalt  }
0x55: {  	_ =	shalt  }
0x56: {  	_ =	shalt  }
0x57: {  	_ =	shalt  }
0x58: {  	_ =	shalt  }
0x59: {  	_ =	shalt  }
0x5a: {  	_ =	shalt  }
0x5b: {  	_ =	shalt  }
0x5c: {  	_ =	shalt  }
0x5d: {  	_ =	shalt  }
0x5e: {  	_ =	shalt  }
0x5f: {  	_ =	shalt  }
0x60: {  	_ =	shalt  }
0x61: {  	_ =	shalt  }
0x62: {  	_ =	shalt  }
0x63: {  	_ =	shalt  }
0x64: {  	_ =	shalt  }
0x65: {  	_ =	shalt  }
0x66: {  	_ =	shalt  }
0x67: {  	_ =	shalt  }
0x68: {  	_ =	shalt  }
0x69: {  	_ =	shalt  }
0x6a: {  	_ =	shalt  }
0x6b: {  	_ =	shalt  }
0x6c: {  	_ =	shalt  }
0x6d: {  	_ =	shalt  }
0x6e: {  	_ =	shalt  }
0x6f: {  	_ =	shalt  }
0x70: {  	_ =	shalt  }
0x71: {  	_ =	shalt  }
0x72: {  	_ =	shalt  }
0x73: {  	_ =	shalt  }
0x74: {  	_ =	shalt  }
0x75: {  	_ =	shalt  }
0x76: {  	_ =	shalt  }
0x77: {  	_ =	shalt  }
0x78: {  	_ =	shalt  }
0x79: {  	_ =	shalt  }
0x7a: {  	_ =	shalt  }
0x7b: {  	_ =	shalt  }
0x7c: {  	_ =	shalt  }
0x7d: {  	_ =	shalt  }
0x7e: {  	_ =	shalt  }
0x7f: {  	_ =	shalt  }
0x80: {  	_ =	shalt  }
0x81: {  	_ =	shalt  }
0x82: {  	_ =	shalt  }
0x83: {  	_ =	shalt  }
0x84: {  	_ =	shalt  }
0x85: {  	_ =	shalt  }
0x86: {  	_ =	shalt  }
0x87: {  	_ =	shalt  }
.Lfunc_end0:
.L_simem_size_0:
called_computation_lowered:
.L_overlay_start_0:
0x88: {  	s2 =	sld [smem:$0x3FD9]  }
0x89: {  	s3 =	sld [smem:$0x3FFE];
	_ =	sdelay $0x1  }
0x8a: {  	s1 =	srdreg.scid  }
0x8b: {  	s0 =	sand.u32 $0x1, s1  }
0x8c: {  	s17 =	sshll.u32 s0, $0xA;
	s2 =	sadd.s32 s3, s2  }
0x8d: {  	s2 =	sadd.s32 s2, s17  }
0x8e: {  	[smem:$0x3FC6] =	sst s2  }
0x8f: {  	_ = 	snop  }
0x90: {  	s2 =	sld [smem:$0x3FD0];
	(tm) =	ssettm $0x1  }
0x91: {  	s18 =	sld [smem:$0x3FFB];
	_ =	sdelay $0x3  }
0x92: {  	_ =	strace s18  }
0x93: {  	s3 =	sld [smem:$0x3FFC];
	_ =	sdelay $0x3  }
0x94: {  	_ =	strace s3  }
0x95: {  	s3 =	sld [smem:$0x3FFD];
	_ =	sdelay $0x3  }
0x96: {  	_ =	strace s3  }
0x97: {  	_ =	strace $0x8FFFFFFF  }
0x98: {  	s19 =	sld [smem:$0x3FDB];
	_ =	sdelay $0x1  }
0x99: {  	s4 =	simm.s32 $_scs_section_size  }
0x9a: {  	s5 =	simm.s32 $_size__tile_overlayer_lowered;
	s6 =	simm.s32 $_tile_overlayer_lowered  }
0x9b: {  	s22 =	simm.s32 $0x1BFF;
	s21 =	sshll.u32 s6, $0x1;
	s3 =	sadd.s32 s4, s19  }
0x9c: {  	s7 =	simm.s32 $0x0;
	s20 =	sshll.u32 s5, $0x1;
	s5 =	sadd.s32 s21, s3  }
0x9d: {  	[timem:s7], [sflag:s22] =	dma.local [hbm:s5], s20  }
0x9e: {  	_ =	swait.ge [sflag:s22], s20  }
0x9f: {  	s4 =	ssub.s32 $0x0, s20;
	[sflag:s22] =	ssyncset.done $0x0  }
0xa0: {  	[sflag:s22] =	ssyncadd.s32 s4;
	_ =	sdelay $0x1  }
0xa1: {  	s23 =	simm.s32 $0x1B8B  }
0xa2: {  	_ =	swait.ge [sflag:s23], $0x1  }
0xa3: {  	[sflag:s23] =	ssyncset.done $0x0  }
0xa4: {  	s25 =	simm.s32 $0x1B8E;
	s24 =	sld [smem:$0x3FFE];
	[sflag:s23] =	ssyncadd.s32 $0xFFFFFFFF  }
0xa5: {  	s26 =	simm.s32 $execute0_lowered;
	[smem:$0x3FD2] =	sst s25  }
0xa6: {  	s5 =	sshll.u32 s26, $0x1;
	_ =	strace $0x80000046;
	[dreg:$0x1] =	wrdreg $0xFFFFFFFF  }
0xa7: {  	s28 =	simm.s32 $_size_execute0_lowered;
	s3 =	sadd.s32 s3, s5;
	[dreg:$0x0] =	wrdreg $0x0  }
0xa8: {  	s5 =	sshll.u32 s28, $0x1;
	[dreg:$0x2] =	wrdreg s3  }
0xa9: {  	[dreg:$0x3] =	wrdreg s5  }
0xaa: {  	[dreg:$0x4] =	wrdreg $0xC0  }
0xab: {  	_ =	task [dreg:s7], $0x5FFFF  }
0xac: {  	[dreg:$0x1] =	wrdreg $0xFFFFFFFF  }
0xad: {  	[dreg:$0x0] =	wrdreg $0x60  }
0xae: {  	[dreg:$0x2] =	wrdreg s24  }
0xaf: {  	[dreg:$0x3] =	wrdreg s2  }
0xb0: {  	[dreg:$0x4] =	wrdreg $0x9  }
0xb1: {  	_ =	task.clear_ibuf [dreg:s7], $0x5FFFF;
	_ =	strace $0x90000046  }
0xb2: {  	s29 =	simm.s32 $0x9;
	_ =	strace $0x80000048  }
0xb3: {  	_ =	swait.ge [sflag:s29], $0x1  }
0xb4: {  	[sflag:s29] =	ssyncadd.s32 $0xFFFFFFFF  }
0xb5: {  	_ =	strace $0x90000048  }
0xb6: {  	_ =	sfence  }
0xb7: {  	s30 =	sld [smem:$0x0];
	_ =	sdelay $0x2  }
0xb8: {  	s31 =	sshll.u32 s1, $0xD;
	s1 =	sshrl.u32 s1, $0x2  }
0xb9: {  	s3 =	sand.u32 $0x4000, s31;
	s1 =	sadd.s32 s1, s30  }
0xba: {  	s0 =	sor.u32 s3, s0;
	s1 =	sshll.u32 s1, $0x11  }
0xbb: {  	s0 =	sor.u32 s1, s0  }
0xbc: {  	s0 =	sadd.s32 $0x8F2B, s0  }
0xbd: {  	[sflag:s0] =	ssyncadd.remote.s32 $0x1  }
0xbe: {  	_ =	sfence.sel $0xFFFF  }
0xbf: {  	[dreg:$0x0] =	wrdreg $0xFFFFFFFF;
	(pc) =	sbr.abs _section_cstart, $3  }
0xc0: {  	[dreg:$0x1] =	wrdreg $0xFFFFFFFF  }
0xc1: {  	_ =	task.clear_ibuf [dreg:s7], $0x2FFFF;
	_ =	strace $0x9FFFFFFF  }
0xc2: {  	(tm) =	ssettm $0x7FFFFFFF  }
0xc3: {  	_ =	shalt  }
tec
execute0_lowered:
.L_overlay_start_1:
0x0: {  	(tag) =	ssettag $0x1  }
0x1: {  	s1 =	rddreg [dreg:$0x0]  }
0x2: {  	s4 =	rddreg [dreg:$0x1];
	s2 =	simm.s32 $0x0  }
0x3: {  	s0 =	srdreg.scid;
	s12 =	stileid.u32;
	s28 =	simm.s32 $0x10400  }
0x4: {  	s29 =	simm.s32 $0xA;
	s30 =	simm.s32 $0x6;
	s31 =	simm.s32 $0x14400  }
0x5: {  	[smem:$0x7FF] =	sst s2;
	s5 =	sand.u32 $0x1, s0;
	s21 =	sshll.u32 s12, $0x1  }
0x6: {  	s8 =	sshll.u32 s12, $0x5;
	s3 =	sadd.s32 $0xC400, s1;
	_ =	strace $0x80000047  }
0x7: {  	s0 =	sor.u32 s5, s21;
	s6 =	ssub.s32 $0x2, s5;
	s10 =	sand.u32 $0x180, s8  }
0x8: {  	s26 =	sshll.u32 s5, $0x4;
	s5 =	sshll.u32 s5, $0xB;
	s7 =	sshll.u32 s0, $0x4  }
0x9: {  	s9 =	sshrl.u32 s6, $0x1;
	s24 =	sor.u32 $0x140, s0;
	s8 =	sor.u32 s26, s8  }
0xa: {  	p0 =	sgt.u32 s0, $0x14;
	s0 =	simm.s32 $0xB;
	s11 =	sand.u32 $0x70, s7  }
0xb: {  	s6 =	ssub.s32 s6, s9;
	s23 =	sadd.s32 s1, s7;
	[dreg:$0xb] =	wrdreg s24  }
0xc: {  	s8 =	sand.u32 $0x70, s8;
	s16 =	sor.u32 $0x1200, s7;
	s18 =	sor.u32 $0x1000, s7  }
0xd: {  	s19 =	sor.u32 $0xE00, s7;
	s22 =	sor.u32 s10, s11;
	[dreg:$0xa] =	wrdreg s23  }
0xe: {  	s10 =	sshll.u32 s24, $0x4;
	s6 =	smax.u32 s6, $0x1;
	s17 =	sand.u32 $0x1380, s16  }
0xf: {  	s23 =	sshll.u32 s12, $0xC;
	s24 =	sor.u32 $0xC00, s7;
	s11 =	simm.s32 $0x80  }
0x10: {  	s9 =	sadd.s32 s22, s1;
	s10 =	sand.u32 $0x1580, s10;
	[dreg:$0xf] =	wrdreg s6  }
0x11: {  	s6 =	sadd.s32 s17, s1;
	s4 =	sadd.s32 s23, s4;
	s23 =	simm.s32 $0x4  }
0x12: {  	s25 =	sadd.s32 $0x200, s9;
	s13 =	sadd.s32 $0x400, s9;
	s9 =	sadd.s32 $0x600, s9  }
0x13: {  	s14 =	sadd.s32 s10, s1;
	s6 =	sadd.s32 s8, s6;
	[dreg:$0xc] =	wrdreg s25  }
0x14: {  	s10 =	sand.u32 $0xF80, s19;
	s4 =	sadd.s32 s5, s4;
	[dreg:$0xd] =	wrdreg s13  }
0x15: {  	s19 =	simm.s32 $0x3;
	[dreg:$0xe] =	wrdreg s9;
	s15 =	sadd.s32 s8, s14  }
0x16: {  	s9 =	sand.u32 $0x1180, s18;
	[dreg:$0x4] =	wrdreg s6;
	s21 =	sadd.s32 s10, s1  }
0x17: {  	s6 =	sand.u32 $0xD80, s24;
	s25 =	sor.u32 $0xA00, s7;
	s7 =	sor.u32 $0x800, s7  }
0x18: {  	s4 =	sadd.s32 $0x60000, s4;
	[dreg:$0x3] =	wrdreg s15;
	s9 =	sadd.s32 s9, s1  }
0x19: {  	s22 =	sadd.s32 s8, s21;
	s6 =	sadd.s32 s6, s1;
	s7 =	sand.u32 $0x980, s7  }
0x1a: {  	[dreg:$0x10] =	wrdreg s4;
	s21 =	simm.s32 $0x8;
	s4 =	simm.s32 $0xF  }
0x1b: {  	s20 =	sadd.s32 s8, s9;
	[dreg:$0x6] =	wrdreg s22;
	s9 =	sand.u32 $0xB80, s25  }
0x1c: {  	s6 =	sadd.s32 s8, s6;
	s25 =	simm.s32 $0x9;
	[dreg:$0x5] =	wrdreg s20  }
0x1d: {  	s9 =	sadd.s32 s9, s1;
	[dreg:$0x7] =	wrdreg s6;
	s1 =	sadd.s32 s7, s1  }
0x1e: {  	s6 =	simm.s32 $0xD;
	s7 =	simm.s32 $0x10;
	s26 =	sadd.s32 s8, s9  }
0x1f: {  	s1 =	sadd.s32 s8, s1;
	s9 =	simm.s32 $0x0;
	[dreg:$0x8] =	wrdreg s26  }
0x20: {  	[dreg:$0x9] =	wrdreg s1;
	s26 =	simm.s32 $0x5;
	s1 =	simm.s32 $0xC  }
.LBB2_1:
0x21: {  	[dreg:$0x11] =	wrdreg s9  }
0x22: {  	s5 =	rddreg [dreg:$0xa]  }
0x23: {  	[tilespmem:s2], [sflag:$0x1] =	stream.linear.gather [hbm4b:s5+s2], $0x80, $0x38;
	[tilespmem:$0x1C400] =	vst v63  }
0x24: {  	s14 =	rddreg [dreg:$0xc]  }
0x25: {  	[tilespmem:s11], [sflag:$0x2] =	stream.linear.gather [hbm4b:s14+s2], $0x80, $0x38;
	[tilespmem:$0x1C400] =	vst v63  }
0x26: {  	s15 =	rddreg [dreg:$0xd];
	s16 =	simm.s32 $0x100  }
0x27: {  	[tilespmem:s16], [sflag:$0x3] =	stream.linear.gather [hbm4b:s15+s2], $0x80, $0x38;
	[tilespmem:$0x1C400] =	vst v63  }
0x28: {  	s17 =	rddreg [dreg:$0xe];
	s10 =	simm.s32 $0x180;
	s18 =	simm.s32 $0x1  }
0x29: {  	[tilespmem:s10], [sflag:$0x4] =	stream.linear.gather [hbm4b:s17+s2], $0x80, $0x38;
	[tilespmem:$0x1C400] =	vst v63  }
0x2a: {  	_ =	swait.ge [sflag:s18], $0x80  }
0x2b: {  	[sflag:s18] =	ssyncset.done $0x0  }
0x2c: {  	s12 =	simm.s32 $0x400;
	s20 =	simm.s32 $0x2;
	[sflag:s18] =	ssyncadd.s32 $0xFFFFFF80  }
0x2d: {  	[tilespmem:s12], [sflag:$0x8] =	stream.indirect.gather [hbm4b:s3+s11], $0x80, s2, s11, $0xb8;
	[tilespmem:$0x1C400] =	vst v63  }
0x2e: {  	_ =	swait.ge [sflag:s20], $0x80  }
0x2f: {  	p2 =	por $0x1, $0x1;
	[sflag:s20] =	ssyncset.done $0x0  }
0x30: {  	s13 =	simm.s32 $0x4400;
	s5 =	simm.s32 @!p2 $0x11;
	[sflag:s20] =	ssyncadd.s32 $0xFFFFFF80  }
0x31: {  	[tilespmem:s13], [sflag:$0x9] =	stream.indirect.gather [hbm4b:s3+s11], $0x80, s11, s11, $0xb8;
	[tilespmem:$0x1C400] =	vst v63  }
0x32: {  	_ =	swait.ge @!p2 [sflag:s5], $0x4000  }
0x33: {  	s8 =	rddreg [dreg:$0x9];
	[sflag:s5] =	ssyncset.done @!p2 $0x0  }
0x34: {  	s14 =	simm.s32 $0x200;
	[sflag:s5] =	ssyncadd.s32 @!p2 $0xFFFFC000;
	s22 =	sadd.s32 $0x0, s8  }
0x35: {  	[tilespmem:s14], [sflag:$0x5] =	stream.linear.gather [hbm4b:s22+s2], $0x80, $0x38;
	[tilespmem:$0x1C400] =	vst v63  }
0x36: {  	_ =	swait.ge [sflag:s19], $0x80  }
0x37: {  	[sflag:s19] =	ssyncset.done $0x0  }
0x38: {  	s15 =	simm.s32 $0x8400;
	[sflag:s19] =	ssyncadd.s32 $0xFFFFFF80  }
0x39: {  	[tilespmem:s15], [sflag:$0xA] =	stream.indirect.gather [hbm4b:s3+s11], $0x80, s16, s11, $0xb8;
	[tilespmem:$0x1C400] =	vst v63  }
0x3a: {  	_ =	swait.ge [sflag:s21], $0x4000  }
0x3b: {  	[sflag:s21] =	ssyncset.done $0x0;
	s18 =	rddreg [dreg:$0x10]  }
0x3c: {  	s8 =	simm.s32 @!p2 $0x12;
	s24 =	sadd.s32 $0xFFFA0000, s18;
	[sflag:s21] =	ssyncadd.s32 $0xFFFFC000  }
0x3d: {  	[hbm4b:s24+s2] =	stream.linear.scatter [tilespmem:s12], [sflag:$0xF], $0x4000, $0x38;
	[tilespmem:$0x1C400] =	vst v63  }
0x3e: {  	_ =	swait.ge @!p2 [sflag:s8], $0x4000  }
0x3f: {  	s9 =	rddreg [dreg:$0x8];
	[sflag:s8] =	ssyncset.done @!p2 $0x0  }
0x40: {  	s17 =	simm.s32 $0x280;
	[sflag:s8] =	ssyncadd.s32 @!p2 $0xFFFFC000;
	s5 =	sadd.s32 $0x0, s9  }
0x41: {  	[tilespmem:s17], [sflag:$0x6] =	stream.linear.gather [hbm4b:s5+s2], $0x80, $0x38;
	[tilespmem:$0x1C400] =	vst v63  }
0x42: {  	_ =	swait.ge [sflag:s23], $0x80  }
0x43: {  	[sflag:s23] =	ssyncset.done $0x0  }
0x44: {  	s20 =	simm.s32 $0xC400;
	[sflag:s23] =	ssyncadd.s32 $0xFFFFFF80  }
0x45: {  	[tilespmem:s20], [sflag:$0xB] =	stream.indirect.gather [hbm4b:s3+s11], $0x80, s10, s11, $0xb8;
	[tilespmem:$0x1C400] =	vst v63  }
0x46: {  	_ =	swait.ge [sflag:s25], $0x4000  }
0x47: {  	[sflag:s25] =	ssyncset.done $0x0  }
0x48: {  	s8 =	simm.s32 @!p2 $0x13;
	s10 =	sadd.s32 $0xFFFB0000, s18;
	[sflag:s25] =	ssyncadd.s32 $0xFFFFC000  }
0x49: {  	[hbm4b:s10+s2] =	stream.linear.scatter [tilespmem:s13], [sflag:$0x10], $0x4000, $0x38;
	[tilespmem:$0x1C400] =	vst v63  }
0x4a: {  	_ =	swait.ge @!p2 [sflag:s8], $0x4000  }
0x4b: {  	s16 =	rddreg [dreg:$0xb]  }
0x4c: {  	[sflag:s8] =	ssyncset.done @!p2 $0x0;
	s12 =	sadd.s32 $0xFFFFFF80, s16  }
0x4d: {  	s9 =	rddreg [dreg:$0x7];
	[sflag:s8] =	ssyncadd.s32 @!p2 $0xFFFFC000;
	p1 =	sgt.u32 s12, $0xC34  }
0x4e: {  	s5 =	simm.s32 @!p1 $0x0;
	s8 =	simm.s32 @!p1 $0x300;
	s9 =	sadd.s32 @!p1 $0x0, s9  }
0x4f: {  	[tilespmem:s8], [sflag:$0x7] =	stream.linear.gather @!p1 [hbm4b:s9+s5], $0x80, $0x38;
	[tilespmem:$0x1C400] =	vst v63  }
0x50: {  	_ =	swait.ge [sflag:s26], $0x80  }
0x51: {  	[sflag:s26] =	ssyncset.done $0x0  }
0x52: {  	[sflag:s26] =	ssyncadd.s32 $0xFFFFFF80  }
0x53: {  	[tilespmem:s28], [sflag:$0xC] =	stream.indirect.gather [hbm4b:s3+s11], $0x80, s14, s11, $0xb8;
	[tilespmem:$0x1C400] =	vst v63  }
0x54: {  	_ =	swait.ge [sflag:s29], $0x4000  }
0x55: {  	[sflag:s29] =	ssyncset.done $0x0  }
0x56: {  	s13 =	sadd.s32 $0xFFFC0000, s18;
	s10 =	simm.s32 @!p2 $0x14;
	[sflag:s29] =	ssyncadd.s32 $0xFFFFC000  }
0x57: {  	[hbm4b:s13+s2] =	stream.linear.scatter [tilespmem:s15], [sflag:$0x11], $0x4000, $0x38;
	[tilespmem:$0x1C400] =	vst v63  }
0x58: {  	s14 =	sadd.s32 $0xFFFFFFA0, s16;
	_ =	swait.ge @!p2 [sflag:s10], $0x4000  }
0x59: {  	p3 =	sgt.u32 s14, $0xC34;
	s9 =	rddreg [dreg:$0x6];
	[sflag:s10] =	ssyncset.done @!p2 $0x0  }
0x5a: {  	[sflag:s10] =	ssyncadd.s32 @!p2 $0xFFFFC000;
	s10 =	simm.s32 @!p3 $0x0;
	s9 =	sadd.s32 @!p3 $0x0, s9  }
0x5b: {  	[tilespmem:s10], [sflag:$0x1] =	stream.linear.gather @!p3 [hbm4b:s9+s10], $0x80, $0x38;
	[tilespmem:$0x1C400] =	vst v63  }
0x5c: {  	_ =	swait.ge [sflag:s30], $0x80  }
0x5d: {  	[sflag:s30] =	ssyncset.done $0x0  }
0x5e: {  	[sflag:s30] =	ssyncadd.s32 $0xFFFFFF80  }
0x5f: {  	[tilespmem:s31], [sflag:$0xD] =	stream.indirect.gather [hbm4b:s3+s11], $0x80, s17, s11, $0xb8;
	[tilespmem:$0x1C400] =	vst v63  }
0x60: {  	_ =	swait.ge [sflag:s0], $0x4000  }
0x61: {  	[sflag:s0] =	ssyncset.done $0x0  }
0x62: {  	s12 =	simm.s32 @!p2 $0x15;
	s15 =	sadd.s32 $0xFFFD0000, s18;
	[sflag:s0] =	ssyncadd.s32 $0xFFFFC000  }
0x63: {  	[hbm4b:s15+s2] =	stream.linear.scatter [tilespmem:s20], [sflag:$0x12], $0x4000, $0x38;
	[tilespmem:$0x1C400] =	vst v63  }
0x64: {  	_ =	swait.ge @!p2 [sflag:s12], $0x4000  }
0x65: {  	s17 =	sadd.s32 $0xFFFFFFC0, s16;
	s9 =	rddreg [dreg:$0x5];
	[sflag:s12] =	ssyncset.done @!p2 $0x0  }
0x66: {  	[sflag:s12] =	ssyncadd.s32 @!p2 $0xFFFFC000;
	p2 =	sgt.u32 s17, $0xC34;
	s12 =	simm.s32 @!p1 $0x7  }
0x67: {  	s13 =	simm.s32 @!p2 $0x0;
	s15 =	simm.s32 @!p2 $0x80;
	s9 =	sadd.s32 @!p2 $0x0, s9  }
0x68: {  	[tilespmem:s15], [sflag:$0x2] =	stream.linear.gather @!p2 [hbm4b:s9+s13], $0x80, $0x38;
	[tilespmem:$0x1C400] =	vst v63  }
0x69: {  	_ =	swait.ge @!p1 [sflag:s12], $0x80  }
0x6a: {  	[sflag:s12] =	ssyncset.done @!p1 $0x0  }
0x6b: {  	s9 =	simm.s32 @!p1 $0x80;
	s13 =	simm.s32 @!p1 $0x18400;
	[sflag:s12] =	ssyncadd.s32 @!p1 $0xFFFFFF80  }
0x6c: {  	[tilespmem:s13], [sflag:$0xE] =	stream.indirect.gather @!p1 [hbm4b:s3+s9], $0x80, s8, s9, $0xb8;
	[tilespmem:$0x1C400] =	vst v63  }
0x6d: {  	_ =	swait.ge [sflag:s1], $0x4000  }
0x6e: {  	[sflag:s1] =	ssyncset.done $0x0  }
0x6f: {  	s22 =	sadd.s32 $0xFFFFFFE0, s16;
	s20 =	sadd.s32 $0xFFFE0000, s18;
	[sflag:s1] =	ssyncadd.s32 $0xFFFFC000  }
0x70: {  	[hbm4b:s20+s2] =	stream.linear.scatter [tilespmem:s28], [sflag:$0x13], $0x4000, $0x38;
	[tilespmem:$0x1C400] =	vst v63  }
0x71: {  	p4 =	sgt.u32 s22, $0xC34;
	s14 =	simm.s32 @!p3 $0x1;
	_ =	swait.ge [sflag:s4], $0x4000  }
0x72: {  	s12 =	simm.s32 @!p4 $0x0;
	s9 =	rddreg [dreg:$0x4];
	[sflag:s4] =	ssyncset.done $0x0  }
0x73: {  	s8 =	simm.s32 @!p4 $0x100;
	[sflag:s4] =	ssyncadd.s32 $0xFFFFC000;
	s9 =	sadd.s32 @!p4 $0x0, s9  }
0x74: {  	[tilespmem:s8], [sflag:$0x3] =	stream.linear.gather @!p4 [hbm4b:s9+s12], $0x80, $0x38;
	[tilespmem:$0x1C400] =	vst v63  }
0x75: {  	_ =	swait.ge @!p3 [sflag:s14], $0x80  }
0x76: {  	[sflag:s14] =	ssyncset.done @!p3 $0x0  }
0x77: {  	s8 =	simm.s32 @!p3 $0x80;
	s9 =	simm.s32 @!p3 $0x400;
	[sflag:s14] =	ssyncadd.s32 @!p3 $0xFFFFFF80  }
0x78: {  	[tilespmem:s9], [sflag:$0x8] =	stream.indirect.gather @!p3 [hbm4b:s3+s8], $0x80, s10, s8, $0xb8;
	[tilespmem:$0x1C400] =	vst v63  }
0x79: {  	_ =	swait.ge [sflag:s6], $0x4000  }
0x7a: {  	[sflag:s6] =	ssyncset.done $0x0  }
0x7b: {  	s24 =	sadd.s32 $0xFFFF0000, s18;
	[sflag:s6] =	ssyncadd.s32 $0xFFFFC000  }
0x7c: {  	[hbm4b:s24+s2] =	stream.linear.scatter [tilespmem:s31], [sflag:$0x14], $0x4000, $0x38;
	[tilespmem:$0x1C400] =	vst v63  }
0x7d: {  	p3 =	sgt.u32 s16, $0xC34;
	s10 =	simm.s32 @!p2 $0x2;
	_ =	swait.ge [sflag:s7], $0x4000  }
0x7e: {  	s9 =	simm.s32 @!p3 $0x180;
	s8 =	rddreg [dreg:$0x3];
	[sflag:s7] =	ssyncset.done $0x0  }
0x7f: {  	s12 =	simm.s32 @!p3 $0x0;
	[sflag:s7] =	ssyncadd.s32 $0xFFFFC000;
	s8 =	sadd.s32 @!p3 $0x0, s8  }
0x80: {  	[tilespmem:s9], [sflag:$0x4] =	stream.linear.gather @!p3 [hbm4b:s8+s12], $0x80, $0x38;
	[tilespmem:$0x1C400] =	vst v63  }
0x81: {  	s17 =	simm.s32 @!p1 $0xE;
	s14 =	simm.s32 $0xE00;
	_ =	swait.ge @!p2 [sflag:s10], $0x80  }
0x82: {  	s16 =	sadd.s32 $0xE0, s16;
	s8 =	simm.s32 @!p2 $0x4400;
	[sflag:s10] =	ssyncset.done @!p2 $0x0  }
0x83: {  	s9 =	sadd.s32 $0x70000, s18;
	p3 =	por $0x0, $0x0;
	[sflag:s10] =	ssyncadd.s32 @!p2 $0xFFFFFF80  }
0x84: {  	[tilespmem:s8], [sflag:$0x9] =	stream.indirect.gather @!p2 [hbm4b:s3+s15], $0x80, s15, s15, $0xb8;
	[tilespmem:$0x1C400] =	vst v63  }
0x85: {  	s10 =	smov.u32 s18;
	s8 =	simm.s32 $0x1C00;
	_ =	swait.ge @!p1 [sflag:s17], $0x4000  }
.LBB2_2:
0x86: {  	[sflag:s17] =	ssyncset.done @!p1 $0x0  }
0x87: {  	s15 =	simm.s32 @!p3 $0x11;
	[sflag:s17] =	ssyncadd.s32 @!p1 $0xFFFFC000  }
0x88: {  	[hbm4b:s10+s5] =	stream.linear.scatter @!p1 [tilespmem:s13], [sflag:$0x15], $0x4000, $0x38;
	[tilespmem:$0x1C400] =	vst v63  }
0x89: {  	_ =	swait.ge @!p3 [sflag:s15], $0x4000  }
0x8a: {  	[sflag:s15] =	ssyncset.done @!p3 $0x0;
	s13 =	rddreg [dreg:$0x9]  }
0x8b: {  	s17 =	simm.s32 $0x200;
	[sflag:s15] =	ssyncadd.s32 @!p3 $0xFFFFC000;
	s5 =	sadd.s32 s14, s13  }
0x8c: {  	[tilespmem:s17], [sflag:$0x5] =	stream.linear.gather [hbm4b:s5+s2], $0x80, $0x38;
	[tilespmem:$0x1C400] =	vst v63  }
0x8d: {  	_ =	swait.ge [sflag:s19], $0x80  }
0x8e: {  	[sflag:s19] =	ssyncset.done $0x0  }
0x8f: {  	s20 =	simm.s32 $0x8400;
	s15 =	simm.s32 $0x100;
	[sflag:s19] =	ssyncadd.s32 $0xFFFFFF80  }
0x90: {  	[tilespmem:s20], [sflag:$0xA] =	stream.indirect.gather [hbm4b:s3+s11], $0x80, s15, s11, $0xb8;
	[tilespmem:$0x1C400] =	vst v63  }
0x91: {  	_ =	swait.ge [sflag:s21], $0x4000  }
0x92: {  	s18 =	sadd.s32 $0xFFFA0000, s9;
	[sflag:s21] =	ssyncset.done $0x0  }
0x93: {  	s22 =	simm.s32 $0x400;
	s13 =	simm.s32 @!p3 $0x12;
	[sflag:s21] =	ssyncadd.s32 $0xFFFFC000  }
0x94: {  	[hbm4b:s18+s2] =	stream.linear.scatter [tilespmem:s22], [sflag:$0xF], $0x4000, $0x38;
	[tilespmem:$0x1C400] =	vst v63  }
0x95: {  	_ =	swait.ge @!p3 [sflag:s13], $0x4000  }
0x96: {  	[sflag:s13] =	ssyncset.done @!p3 $0x0;
	s24 =	rddreg [dreg:$0x8]  }
0x97: {  	s22 =	simm.s32 $0x280;
	[sflag:s13] =	ssyncadd.s32 @!p3 $0xFFFFC000;
	s5 =	sadd.s32 s14, s24  }
0x98: {  	[tilespmem:s22], [sflag:$0x6] =	stream.linear.gather [hbm4b:s5+s2], $0x80, $0x38;
	[tilespmem:$0x1C400] =	vst v63  }
0x99: {  	_ =	swait.ge [sflag:s23], $0x80  }
0x9a: {  	[sflag:s23] =	ssyncset.done $0x0  }
0x9b: {  	s13 =	simm.s32 $0x180;
	s24 =	simm.s32 $0xC400;
	[sflag:s23] =	ssyncadd.s32 $0xFFFFFF80  }
0x9c: {  	[tilespmem:s24], [sflag:$0xB] =	stream.indirect.gather [hbm4b:s3+s11], $0x80, s13, s11, $0xb8;
	[tilespmem:$0x1C400] =	vst v63  }
0x9d: {  	_ =	swait.ge [sflag:s25], $0x4000  }
0x9e: {  	[sflag:s25] =	ssyncset.done $0x0  }
0x9f: {  	s15 =	sadd.s32 $0xFFFB0000, s9;
	s18 =	simm.s32 $0x4400;
	[sflag:s25] =	ssyncadd.s32 $0xFFFFC000  }
0xa0: {  	[hbm4b:s15+s2] =	stream.linear.scatter [tilespmem:s18], [sflag:$0x10], $0x4000, $0x38;
	[tilespmem:$0x1C400] =	vst v63  }
0xa1: {  	s13 =	simm.s32 @!p3 $0x13;
	s18 =	sadd.s32 $0xFFFFFF80, s16  }
0xa2: {  	_ =	swait.ge @!p3 [sflag:s13], $0x4000;
	p1 =	sgt.u32 s18, $0xC34  }
0xa3: {  	[sflag:s13] =	ssyncset.done @!p3 $0x0;
	s15 =	rddreg [dreg:$0x7];
	s5 =	simm.s32 @!p1 $0x0  }
0xa4: {  	s18 =	simm.s32 @!p1 $0x300;
	[sflag:s13] =	ssyncadd.s32 @!p3 $0xFFFFC000;
	s13 =	sadd.s32 @!p1 s14, s15  }
0xa5: {  	[tilespmem:s18], [sflag:$0x7] =	stream.linear.gather @!p1 [hbm4b:s13+s5], $0x80, $0x38;
	[tilespmem:$0x1C400] =	vst v63  }
0xa6: {  	_ =	swait.ge [sflag:s26], $0x80  }
0xa7: {  	[sflag:s26] =	ssyncset.done $0x0  }
0xa8: {  	[sflag:s26] =	ssyncadd.s32 $0xFFFFFF80  }
0xa9: {  	[tilespmem:s28], [sflag:$0xC] =	stream.indirect.gather [hbm4b:s3+s11], $0x80, s17, s11, $0xb8;
	[tilespmem:$0x1C400] =	vst v63  }
0xaa: {  	_ =	swait.ge [sflag:s29], $0x4000  }
0xab: {  	[sflag:s29] =	ssyncset.done $0x0  }
0xac: {  	s15 =	simm.s32 @!p3 $0x14;
	s17 =	sadd.s32 $0xFFFC0000, s9;
	[sflag:s29] =	ssyncadd.s32 $0xFFFFC000  }
0xad: {  	[hbm4b:s17+s2] =	stream.linear.scatter [tilespmem:s20], [sflag:$0x11], $0x4000, $0x38;
	[tilespmem:$0x1C400] =	vst v63  }
0xae: {  	s17 =	sadd.s32 $0xFFFFFFA0, s16;
	_ =	swait.ge @!p3 [sflag:s15], $0x4000  }
0xaf: {  	p4 =	sgt.u32 s17, $0xC34;
	[sflag:s15] =	ssyncset.done @!p3 $0x0;
	s20 =	rddreg [dreg:$0x6]  }
0xb0: {  	s17 =	simm.s32 @!p4 $0x0;
	[sflag:s15] =	ssyncadd.s32 @!p3 $0xFFFFC000;
	s13 =	sadd.s32 @!p4 s14, s20  }
0xb1: {  	[tilespmem:s17], [sflag:$0x1] =	stream.linear.gather @!p4 [hbm4b:s13+s17], $0x80, $0x38;
	[tilespmem:$0x1C400] =	vst v63  }
0xb2: {  	_ =	swait.ge [sflag:s30], $0x80  }
0xb3: {  	[sflag:s30] =	ssyncset.done $0x0  }
0xb4: {  	[sflag:s30] =	ssyncadd.s32 $0xFFFFFF80  }
0xb5: {  	[tilespmem:s31], [sflag:$0xD] =	stream.indirect.gather [hbm4b:s3+s11], $0x80, s22, s11, $0xb8;
	[tilespmem:$0x1C400] =	vst v63  }
0xb6: {  	_ =	swait.ge [sflag:s0], $0x4000  }
0xb7: {  	[sflag:s0] =	ssyncset.done $0x0  }
0xb8: {  	s15 =	simm.s32 @!p3 $0x15;
	s22 =	sadd.s32 $0xFFFD0000, s9;
	[sflag:s0] =	ssyncadd.s32 $0xFFFFC000  }
0xb9: {  	[hbm4b:s22+s2] =	stream.linear.scatter [tilespmem:s24], [sflag:$0x12], $0x4000, $0x38;
	[tilespmem:$0x1C400] =	vst v63  }
0xba: {  	_ =	swait.ge @!p3 [sflag:s15], $0x4000  }
0xbb: {  	s24 =	sadd.s32 $0xFFFFFFC0, s16;
	s22 =	simm.s32 @!p1 $0x7;
	[sflag:s15] =	ssyncset.done @!p3 $0x0  }
0xbc: {  	s20 =	rddreg [dreg:$0x5];
	[sflag:s15] =	ssyncadd.s32 @!p3 $0xFFFFC000;
	p3 =	sgt.u32 s24, $0xC34  }
0xbd: {  	s13 =	simm.s32 @!p3 $0x0;
	s15 =	simm.s32 @!p3 $0x80;
	s20 =	sadd.s32 @!p3 s14, s20  }
0xbe: {  	[tilespmem:s15], [sflag:$0x2] =	stream.linear.gather @!p3 [hbm4b:s20+s13], $0x80, $0x38;
	[tilespmem:$0x1C400] =	vst v63  }
0xbf: {  	_ =	swait.ge @!p1 [sflag:s22], $0x80  }
0xc0: {  	[sflag:s22] =	ssyncset.done @!p1 $0x0  }
0xc1: {  	s20 =	simm.s32 @!p1 $0x80;
	s13 =	simm.s32 @!p1 $0x18400;
	[sflag:s22] =	ssyncadd.s32 @!p1 $0xFFFFFF80  }
0xc2: {  	[tilespmem:s13], [sflag:$0xE] =	stream.indirect.gather @!p1 [hbm4b:s3+s20], $0x80, s18, s20, $0xb8;
	[tilespmem:$0x1C400] =	vst v63  }
0xc3: {  	_ =	swait.ge [sflag:s1], $0x4000  }
0xc4: {  	[sflag:s1] =	ssyncset.done $0x0  }
0xc5: {  	s22 =	sadd.s32 $0xFFFFFFE0, s16;
	s20 =	sadd.s32 $0xFFFE0000, s9;
	[sflag:s1] =	ssyncadd.s32 $0xFFFFC000  }
0xc6: {  	[hbm4b:s20+s2] =	stream.linear.scatter [tilespmem:s28], [sflag:$0x13], $0x4000, $0x38;
	[tilespmem:$0x1C400] =	vst v63  }
0xc7: {  	s24 =	simm.s32 @!p4 $0x1;
	p5 =	sgt.u32 s22, $0xC34;
	_ =	swait.ge [sflag:s4], $0x4000  }
0xc8: {  	s18 =	simm.s32 @!p5 $0x100;
	s20 =	rddreg [dreg:$0x4];
	[sflag:s4] =	ssyncset.done $0x0  }
0xc9: {  	s22 =	simm.s32 @!p5 $0x0;
	[sflag:s4] =	ssyncadd.s32 $0xFFFFC000;
	s20 =	sadd.s32 @!p5 s14, s20  }
0xca: {  	[tilespmem:s18], [sflag:$0x3] =	stream.linear.gather @!p5 [hbm4b:s20+s22], $0x80, $0x38;
	[tilespmem:$0x1C400] =	vst v63  }
0xcb: {  	_ =	swait.ge @!p4 [sflag:s24], $0x80  }
0xcc: {  	[sflag:s24] =	ssyncset.done @!p4 $0x0  }
0xcd: {  	s18 =	simm.s32 @!p4 $0x80;
	s20 =	simm.s32 @!p4 $0x400;
	[sflag:s24] =	ssyncadd.s32 @!p4 $0xFFFFFF80  }
0xce: {  	[tilespmem:s20], [sflag:$0x8] =	stream.indirect.gather @!p4 [hbm4b:s3+s18], $0x80, s17, s18, $0xb8;
	[tilespmem:$0x1C400] =	vst v63  }
0xcf: {  	_ =	swait.ge [sflag:s6], $0x4000  }
0xd0: {  	s12 =	smov.u32 s8;
	s8 =	sadd.s32 $0xE00, s8;
	[sflag:s6] =	ssyncset.done $0x0  }
0xd1: {  	p2 =	sne.s32 s8, $0xC400;
	s24 =	sadd.s32 $0xFFFF0000, s9;
	[sflag:s6] =	ssyncadd.s32 $0xFFFFC000  }
0xd2: {  	[hbm4b:s24+s2] =	stream.linear.scatter [tilespmem:s31], [sflag:$0x14], $0x4000, $0x38;
	[tilespmem:$0x1C400] =	vst v63  }
0xd3: {  	p4 =	sgt.u32 s16, $0xC34;
	s20 =	simm.s32 @!p3 $0x2;
	_ =	swait.ge [sflag:s7], $0x4000  }
0xd4: {  	s18 =	simm.s32 @!p4 $0x180;
	s17 =	rddreg [dreg:$0x3];
	[sflag:s7] =	ssyncset.done $0x0  }
0xd5: {  	s22 =	simm.s32 @!p4 $0x0;
	[sflag:s7] =	ssyncadd.s32 $0xFFFFC000;
	s17 =	sadd.s32 @!p4 s14, s17  }
0xd6: {  	[tilespmem:s18], [sflag:$0x4] =	stream.linear.gather @!p4 [hbm4b:s17+s22], $0x80, $0x38;
	[tilespmem:$0x1C400] =	vst v63  }
.Ltmp0:
0xd7: {  	s10 =	smov.u32 s9;
	_ =	swait.ge @!p3 [sflag:s20], $0x80;
	(pc) =	sbr.rel @p2 .LBB2_2-.Ltmp0, $4  }
0xd8: {  	s9 =	sadd.s32 $0x70000, s9;
	s14 =	smov.u32 s12;
	[sflag:s20] =	ssyncset.done @!p3 $0x0  }
0xd9: {  	s12 =	simm.s32 @!p3 $0x4400;
	s17 =	simm.s32 @!p1 $0xE;
	[sflag:s20] =	ssyncadd.s32 @!p3 $0xFFFFFF80  }
0xda: {  	[tilespmem:s12], [sflag:$0x9] =	stream.indirect.gather @!p3 [hbm4b:s3+s15], $0x80, s15, s15, $0xb8;
	[tilespmem:$0x1C400] =	vst v63  }
0xdb: {  	s16 =	sadd.s32 $0xE0, s16;
	p3 =	seq.s32 s14, $0x0;
	_ =	swait.ge @!p1 [sflag:s17], $0x4000  }
0xdc: {  	[sflag:s17] =	ssyncset.done @!p1 $0x0  }
0xdd: {  	s8 =	simm.s32 @!p3 $0x11;
	[sflag:s17] =	ssyncadd.s32 @!p1 $0xFFFFC000  }
0xde: {  	[hbm4b:s10+s5] =	stream.linear.scatter @!p1 [tilespmem:s13], [sflag:$0x15], $0x4000, $0x38;
	[tilespmem:$0x1C400] =	vst v63  }
0xdf: {  	_ =	swait.ge @!p3 [sflag:s8], $0x4000  }
0xe0: {  	s17 =	rddreg [dreg:$0x9];
	[sflag:s8] =	ssyncset.done @!p3 $0x0  }
0xe1: {  	s12 =	simm.s32 $0x200;
	[sflag:s8] =	ssyncadd.s32 @!p3 $0xFFFFC000;
	s5 =	sadd.s32 s14, s17  }
0xe2: {  	[tilespmem:s12], [sflag:$0x5] =	stream.linear.gather [hbm4b:s5+s2], $0x80, $0x38;
	[tilespmem:$0x1C400] =	vst v63  }
0xe3: {  	_ =	swait.ge [sflag:s19], $0x80  }
0xe4: {  	[sflag:s19] =	ssyncset.done $0x0  }
0xe5: {  	s18 =	simm.s32 $0x100;
	s13 =	simm.s32 $0x8400;
	[sflag:s19] =	ssyncadd.s32 $0xFFFFFF80  }
0xe6: {  	[tilespmem:s13], [sflag:$0xA] =	stream.indirect.gather [hbm4b:s3+s11], $0x80, s18, s11, $0xb8;
	[tilespmem:$0x1C400] =	vst v63  }
0xe7: {  	_ =	swait.ge [sflag:s21], $0x4000  }
0xe8: {  	s20 =	sadd.s32 $0xFFFA0000, s9;
	[sflag:s21] =	ssyncset.done $0x0  }
0xe9: {  	s22 =	simm.s32 $0x400;
	s8 =	simm.s32 @!p3 $0x12;
	[sflag:s21] =	ssyncadd.s32 $0xFFFFC000  }
0xea: {  	[hbm4b:s20+s2] =	stream.linear.scatter [tilespmem:s22], [sflag:$0xF], $0x4000, $0x38;
	[tilespmem:$0x1C400] =	vst v63  }
0xeb: {  	_ =	swait.ge @!p3 [sflag:s8], $0x4000  }
0xec: {  	s24 =	rddreg [dreg:$0x8];
	[sflag:s8] =	ssyncset.done @!p3 $0x0  }
0xed: {  	s15 =	simm.s32 $0x280;
	[sflag:s8] =	ssyncadd.s32 @!p3 $0xFFFFC000;
	s5 =	sadd.s32 s14, s24  }
0xee: {  	[tilespmem:s15], [sflag:$0x6] =	stream.linear.gather [hbm4b:s5+s2], $0x80, $0x38;
	[tilespmem:$0x1C400] =	vst v63  }
0xef: {  	_ =	swait.ge [sflag:s23], $0x80  }
0xf0: {  	[sflag:s23] =	ssyncset.done $0x0  }
0xf1: {  	s17 =	simm.s32 $0xC400;
	s8 =	simm.s32 $0x180;
	[sflag:s23] =	ssyncadd.s32 $0xFFFFFF80  }
0xf2: {  	[tilespmem:s17], [sflag:$0xB] =	stream.indirect.gather [hbm4b:s3+s11], $0x80, s8, s11, $0xb8;
	[tilespmem:$0x1C400] =	vst v63  }
0xf3: {  	_ =	swait.ge [sflag:s25], $0x4000  }
0xf4: {  	s10 =	sadd.s32 $0xFFFB0000, s9;
	s18 =	simm.s32 $0x4400;
	[sflag:s25] =	ssyncset.done $0x0  }
0xf5: {  	s20 =	sadd.s32 $0xFFFFFF80, s16;
	s8 =	simm.s32 @!p3 $0x13;
	[sflag:s25] =	ssyncadd.s32 $0xFFFFC000  }
0xf6: {  	[hbm4b:s10+s2] =	stream.linear.scatter [tilespmem:s18], [sflag:$0x10], $0x4000, $0x38;
	[tilespmem:$0x1C400] =	vst v63  }
0xf7: {  	p1 =	sgt.u32 s20, $0xC34;
	_ =	swait.ge @!p3 [sflag:s8], $0x4000  }
0xf8: {  	s5 =	simm.s32 @!p1 $0x0;
	s10 =	rddreg [dreg:$0x7];
	[sflag:s8] =	ssyncset.done @!p3 $0x0  }
0xf9: {  	[sflag:s8] =	ssyncadd.s32 @!p3 $0xFFFFC000;
	s8 =	simm.s32 @!p1 $0x300;
	s10 =	sadd.s32 @!p1 s14, s10  }
0xfa: {  	[tilespmem:s8], [sflag:$0x7] =	stream.linear.gather @!p1 [hbm4b:s10+s5], $0x80, $0x38;
	[tilespmem:$0x1C400] =	vst v63  }
0xfb: {  	_ =	swait.ge [sflag:s26], $0x80  }
0xfc: {  	[sflag:s26] =	ssyncset.done $0x0  }
0xfd: {  	[sflag:s26] =	ssyncadd.s32 $0xFFFFFF80  }
0xfe: {  	[tilespmem:s28], [sflag:$0xC] =	stream.indirect.gather [hbm4b:s3+s11], $0x80, s12, s11, $0xb8;
	[tilespmem:$0x1C400] =	vst v63  }
0xff: {  	_ =	swait.ge [sflag:s29], $0x4000  }
0x100: {  	[sflag:s29] =	ssyncset.done $0x0  }
0x101: {  	s22 =	sadd.s32 $0xFFFC0000, s9;
	s12 =	simm.s32 @!p3 $0x14;
	[sflag:s29] =	ssyncadd.s32 $0xFFFFC000  }
0x102: {  	[hbm4b:s22+s2] =	stream.linear.scatter [tilespmem:s13], [sflag:$0x11], $0x4000, $0x38;
	[tilespmem:$0x1C400] =	vst v63  }
0x103: {  	s24 =	sadd.s32 $0xFFFFFFA0, s16;
	_ =	swait.ge @!p3 [sflag:s12], $0x4000  }
0x104: {  	p2 =	sgt.u32 s24, $0xC34;
	s10 =	rddreg [dreg:$0x6];
	[sflag:s12] =	ssyncset.done @!p3 $0x0  }
0x105: {  	[sflag:s12] =	ssyncadd.s32 @!p3 $0xFFFFC000;
	s12 =	simm.s32 @!p2 $0x0;
	s10 =	sadd.s32 @!p2 s14, s10  }
0x106: {  	[tilespmem:s12], [sflag:$0x1] =	stream.linear.gather @!p2 [hbm4b:s10+s12], $0x80, $0x38;
	[tilespmem:$0x1C400] =	vst v63  }
0x107: {  	_ =	swait.ge [sflag:s30], $0x80  }
0x108: {  	[sflag:s30] =	ssyncset.done $0x0  }
0x109: {  	[sflag:s30] =	ssyncadd.s32 $0xFFFFFF80  }
0x10a: {  	[tilespmem:s31], [sflag:$0xD] =	stream.indirect.gather [hbm4b:s3+s11], $0x80, s15, s11, $0xb8;
	[tilespmem:$0x1C400] =	vst v63  }
0x10b: {  	_ =	swait.ge [sflag:s0], $0x4000  }
0x10c: {  	[sflag:s0] =	ssyncset.done $0x0  }
0x10d: {  	s18 =	sadd.s32 $0xFFFD0000, s9;
	s13 =	simm.s32 @!p3 $0x15;
	[sflag:s0] =	ssyncadd.s32 $0xFFFFC000  }
0x10e: {  	[hbm4b:s18+s2] =	stream.linear.scatter [tilespmem:s17], [sflag:$0x12], $0x4000, $0x38;
	[tilespmem:$0x1C400] =	vst v63  }
0x10f: {  	_ =	swait.ge @!p3 [sflag:s13], $0x4000  }
0x110: {  	s20 =	sadd.s32 $0xFFFFFFC0, s16;
	s10 =	rddreg [dreg:$0x5];
	[sflag:s13] =	ssyncset.done @!p3 $0x0  }
0x111: {  	[sflag:s13] =	ssyncadd.s32 @!p3 $0xFFFFC000;
	p3 =	sgt.u32 s20, $0xC34;
	s13 =	simm.s32 @!p1 $0x7  }
0x112: {  	s15 =	simm.s32 @!p3 $0x0;
	s17 =	simm.s32 @!p3 $0x80;
	s10 =	sadd.s32 @!p3 s14, s10  }
0x113: {  	[tilespmem:s17], [sflag:$0x2] =	stream.linear.gather @!p3 [hbm4b:s10+s15], $0x80, $0x38;
	[tilespmem:$0x1C400] =	vst v63  }
0x114: {  	_ =	swait.ge @!p1 [sflag:s13], $0x80  }
0x115: {  	[sflag:s13] =	ssyncset.done @!p1 $0x0  }
0x116: {  	s10 =	simm.s32 @!p1 $0x80;
	s15 =	simm.s32 @!p1 $0x18400;
	[sflag:s13] =	ssyncadd.s32 @!p1 $0xFFFFFF80  }
0x117: {  	[tilespmem:s15], [sflag:$0xE] =	stream.indirect.gather @!p1 [hbm4b:s3+s10], $0x80, s8, s10, $0xb8;
	[tilespmem:$0x1C400] =	vst v63  }
0x118: {  	_ =	swait.ge [sflag:s1], $0x4000  }
0x119: {  	[sflag:s1] =	ssyncset.done $0x0  }
0x11a: {  	s24 =	sadd.s32 $0xFFFFFFE0, s16;
	s22 =	sadd.s32 $0xFFFE0000, s9;
	[sflag:s1] =	ssyncadd.s32 $0xFFFFC000  }
0x11b: {  	[hbm4b:s22+s2] =	stream.linear.scatter [tilespmem:s28], [sflag:$0x13], $0x4000, $0x38;
	[tilespmem:$0x1C400] =	vst v63  }
0x11c: {  	p4 =	sgt.u32 s24, $0xC34;
	_ =	swait.ge [sflag:s4], $0x4000  }
0x11d: {  	s13 =	simm.s32 @!p4 $0x0;
	s8 =	rddreg [dreg:$0x4];
	[sflag:s4] =	ssyncset.done $0x0  }
0x11e: {  	s10 =	simm.s32 @!p4 $0x100;
	[sflag:s4] =	ssyncadd.s32 $0xFFFFC000;
	s8 =	sadd.s32 @!p4 s14, s8  }
0x11f: {  	[tilespmem:s10], [sflag:$0x3] =	stream.linear.gather @!p4 [hbm4b:s8+s13], $0x80, $0x38;
	[tilespmem:$0x1C400] =	vst v63  }
0x120: {  	s8 =	simm.s32 @!p2 $0x1  }
0x121: {  	_ =	swait.ge @!p2 [sflag:s8], $0x80  }
0x122: {  	[sflag:s8] =	ssyncset.done @!p2 $0x0  }
0x123: {  	s10 =	simm.s32 @!p2 $0x80;
	[sflag:s8] =	ssyncadd.s32 @!p2 $0xFFFFFF80;
	s8 =	simm.s32 @!p2 $0x400  }
0x124: {  	[tilespmem:s8], [sflag:$0x8] =	stream.indirect.gather @!p2 [hbm4b:s3+s10], $0x80, s12, s10, $0xb8;
	[tilespmem:$0x1C400] =	vst v63  }
0x125: {  	_ =	swait.ge [sflag:s6], $0x4000  }
0x126: {  	[sflag:s6] =	ssyncset.done $0x0  }
0x127: {  	s13 =	sadd.s32 $0xFFFF0000, s9;
	[sflag:s6] =	ssyncadd.s32 $0xFFFFC000  }
0x128: {  	[hbm4b:s13+s2] =	stream.linear.scatter [tilespmem:s31], [sflag:$0x14], $0x4000, $0x38;
	[tilespmem:$0x1C400] =	vst v63  }
0x129: {  	p2 =	sgt.u32 s16, $0xC34;
	_ =	swait.ge [sflag:s7], $0x4000  }
0x12a: {  	s10 =	simm.s32 @!p2 $0x180;
	s8 =	rddreg [dreg:$0x3];
	[sflag:s7] =	ssyncset.done $0x0  }
0x12b: {  	s12 =	simm.s32 @!p2 $0x0;
	[sflag:s7] =	ssyncadd.s32 $0xFFFFC000;
	s8 =	sadd.s32 @!p2 s14, s8  }
0x12c: {  	[tilespmem:s10], [sflag:$0x4] =	stream.linear.gather @!p2 [hbm4b:s8+s12], $0x80, $0x38;
	[tilespmem:$0x1C400] =	vst v63  }
0x12d: {  	s8 =	simm.s32 @!p3 $0x2  }
0x12e: {  	_ =	swait.ge @!p3 [sflag:s8], $0x80  }
0x12f: {  	[sflag:s8] =	ssyncset.done @!p3 $0x0  }
0x130: {  	[sflag:s8] =	ssyncadd.s32 @!p3 $0xFFFFFF80;
	s8 =	simm.s32 @!p3 $0x4400  }
0x131: {  	[tilespmem:s8], [sflag:$0x9] =	stream.indirect.gather @!p3 [hbm4b:s3+s17], $0x80, s17, s17, $0xb8;
	[tilespmem:$0x1C400] =	vst v63  }
0x132: {  	s8 =	simm.s32 @!p1 $0xE  }
0x133: {  	_ =	swait.ge @!p1 [sflag:s8], $0x4000  }
0x134: {  	[sflag:s8] =	ssyncset.done @!p1 $0x0  }
0x135: {  	s16 =	simm.s32 $0x11;
	[sflag:s8] =	ssyncadd.s32 @!p1 $0xFFFFC000  }
0x136: {  	[hbm4b:s9+s5] =	stream.linear.scatter @!p1 [tilespmem:s15], [sflag:$0x15], $0x4000, $0x38;
	[tilespmem:$0x1C400] =	vst v63  }
0x137: {  	_ =	swait.ge [sflag:s16], $0x4000  }
0x138: {  	[sflag:s16] =	ssyncset.done $0x0  }
0x139: {  	s17 =	simm.s32 $0x12;
	[sflag:s16] =	ssyncadd.s32 $0xFFFFC000  }
0x13a: {  	_ =	swait.ge [sflag:s17], $0x4000  }
0x13b: {  	[sflag:s17] =	ssyncset.done $0x0  }
0x13c: {  	s18 =	simm.s32 $0x13;
	[sflag:s17] =	ssyncadd.s32 $0xFFFFC000  }
0x13d: {  	_ =	swait.ge [sflag:s18], $0x4000  }
0x13e: {  	[sflag:s18] =	ssyncset.done $0x0  }
0x13f: {  	s20 =	simm.s32 $0x14;
	[sflag:s18] =	ssyncadd.s32 $0xFFFFC000  }
0x140: {  	_ =	swait.ge [sflag:s20], $0x4000  }
0x141: {  	[sflag:s20] =	ssyncset.done $0x0  }
0x142: {  	s5 =	simm.s32 @!p0 $0x15;
	[sflag:s20] =	ssyncadd.s32 $0xFFFFC000  }
0x143: {  	_ =	swait.ge @!p0 [sflag:s5], $0x4000  }
0x144: {  	s22 =	rddreg [dreg:$0x11]  }
0x145: {  	s24 =	rddreg [dreg:$0xf];
	s9 =	sadd.s32 $0x1, s22  }
0x146: {  	p1 =	sne.s32 s9, s24  }
.Ltmp1:
0x147: {  	_ = 	snop;
	(pc) =	sbr.rel @p1 .LBB2_1-.Ltmp1, $3  }
0x148: {  	_ =	sdelay $0x1  }
0x149: {  	[sflag:s5] =	ssyncset.done @!p0 $0x0  }
0x14a: {  	[sflag:s5] =	ssyncadd.s32 @!p0 $0xFFFFC000  }
0x14b: {  	_ =	sfence.sel $0x180000  }
0x14c: {  	[bflag:$0x0] =	sbarrier.arrive $0xFFFF  }
0x14d: {  	_ =	strace $0x90000047  }
0x14e: {  	s0 =	stileid.u32;
	[bflag:$0x2] =	sbarrier.arrive $0xFFFF  }
0x14f: {  	p0 =	sne.s32 s0, $0x0;
	s0 =	rddreg [dreg:$0x2]  }
0x150: {  	s0 =	sadd.s32 @!p0 $0x100000, s0  }
0x151: {  	[sflag:s0] =	ssyncadd.tile.s32 @!p0 $0x1;
	_ =	shalt  }
.Lfunc_end2:
_tile_overlayer_lowered:
.L_overlay_start_2:
0x152: {  	(tag) =	ssettag $0x2  }
0x153: {  	s0 =	rddreg [dreg:$0x0];
	s2 =	stileid.u32  }
0x154: {  	s1 =	rddreg [dreg:$0x1];
	p0 =	sne.s32 s2, $0x0  }
0x155: {  	s3 =	rddreg [dreg:$0x2];
	[bflag:$0x3] =	sbarrier.arrive $0xFFFF;
	s2 =	simm.s32 @!p0 $0x1C16  }
0x156: {  	[timem:s3], [sflag:s2] =	dma.local @!p0 [hbm:s0], s1  }
0x157: {  	s0 =	simm.s32 @!p0 $0x16  }
0x158: {  	_ =	swait.ge @!p0 [sflag:s0], s1  }
0x159: {  	s1 =	ssub.s32 @!p0 $0x0, s1;
	[sflag:s0] =	ssyncset.done @!p0 $0x0  }
0x15a: {  	[sflag:s0] =	ssyncadd.s32 @!p0 s1  }
0x15b: {  	[bflag:$0x3] =	sbarrier.arrive $0xFFFF  }
0x15c: {  	_ =	shalt  }

</sc_bundles>
